<compile_context>
chip_gen: v7x
topology: tpu7x:2x2x1
jax: 0.10.2.dev20260603
libtpu: 0.0.44.dev20260713+nightly
codegen_flags: <defaults>
</compile_context>

<pallas_src>
import jax
import jax.numpy as jnp
from jax import lax
from jax.experimental import pallas as pl
from jax.experimental.pallas import tpu as pltpu
from jax.experimental.pallas import tpu_sc as plsc

HIDDEN = 500
N_NODES = 31
ROWS = 62
PE_COLS = 16
PE_FLAT = ROWS * PE_COLS


def _pe_sc_kernel(no_hbm, pe_hbm, no_v, pe_v):
    cid = lax.axis_index("c")
    sid = lax.axis_index("s")

    @pl.when((cid == 0) & (sid == 0))
    def _():
        pltpu.sync_copy(no_hbm, no_v)
        zero = jnp.zeros((16,), jnp.float32)
        for k in range(PE_FLAT // 16):
            pe_v[pl.ds(k * 16, 16)] = zero
        m = no_v[pl.ds(0, 16)]
        for chunk in range(1, 4):
            m = jnp.maximum(m, no_v[pl.ds(chunk * 16, 16)])
        max_order = m[0]
        for i in range(1, 16):
            max_order = jnp.maximum(max_order, m[i])
        ones = jnp.full((16,), 1.0, jnp.float32)
        i16 = lax.iota(jnp.int32, 16)
        for chunk in range(4):
            r = chunk * 16 + i16
            d = no_v[pl.ds(chunk * 16, 16)]
            n = r % N_NODES
            c = 3 * d + (n + 2) % 3
            mask = (n != 0) & (d < 5) & (d < max_order) & (r < ROWS)
            plsc.store_scatter(pe_v, [r * PE_COLS + c], ones, mask=mask)
        pltpu.sync_copy(pe_v, pe_hbm)


def _mm_kernel(x_ref, w_ref, b_ref, out_ref):
    out_ref[...] = lax.dot_general(
        x_ref[...], w_ref[...],
        dimension_numbers=(((1,), (1,)), ((), ())),
        preferred_element_type=jnp.float32,
    ) + b_ref[...]


def kernel(forest, adjacency, node_order, edge_order, W, b):
    batch, n_agents, n_nodes, feat = forest.shape
    rows = batch * n_agents * n_nodes
    x = forest.reshape(rows, feat)
    no = jnp.pad(node_order.astype(jnp.int32).reshape(rows), (0, 64 - rows))
    b2 = b.reshape(1, HIDDEN)

    mesh = plsc.VectorSubcoreMesh(
        core_axis_name="c", subcore_axis_name="s", num_cores=2, num_subcores=16
    )
    pe_flat = pl.kernel(
        _pe_sc_kernel,
        out_type=jax.ShapeDtypeStruct((PE_FLAT,), jnp.float32),
        mesh=mesh,
        compiler_params=pltpu.CompilerParams(needs_layout_passes=False),
        scratch_types=[
            pltpu.VMEM((64,), jnp.int32),
            pltpu.VMEM((PE_FLAT,), jnp.float32),
        ],
    )(no)
    pe16 = pe_flat.reshape(ROWS, PE_COLS)

    out = pl.pallas_call(
        _mm_kernel,
        out_shape=jax.ShapeDtypeStruct((rows, HIDDEN), jnp.float32),
    )(x, W, b2)
    out = out.at[:, :PE_COLS].add(pe16)
    return out.reshape(batch, n_agents, n_nodes, HIDDEN)

# --- scband reference (transcript-rebuilt; emitter-appended) ---
"""Pipeline reference for scband-tree-transformer-89464168776202 (READ-ONLY COPY).

The authoritative reference and input builder live on the scoring server;
editing this copy changes nothing except your own understanding.
"""

import jax, jax.numpy as jnp
import numpy as np

HIDDEN = 500


def _index_tensor():
    # torch.tensor([[1,0,0],[0,1,0],[0,0,1]]).repeat(1, 2, 10, 510)[:, :, :, :500]
    eye3 = np.array([[1, 0, 0], [0, 1, 0], [0, 0, 1]], dtype=np.float32)
    tiled = np.tile(eye3, (1, 2, 10, 510))[:, :, :, :500]  # [1,2,30,500]
    root = np.zeros((1, 2, 1, 500), dtype=np.float32)
    # torch.cat((root_node, index_tensor), 2).type(torch.bool)
    return np.concatenate([root, tiled], axis=2).astype(bool)  # [1,2,31,500]


def _positional_encoding(node_order):
    batch, n_agents, n_nodes = node_order.shape
    pe = jnp.zeros((batch, n_agents, n_nodes, HIDDEN), dtype=jnp.float32)
    max_tree_depth = jnp.max(node_order)
    index_tensor = jnp.asarray(_index_tensor())
    for node_depth in range(5):
        depth_active = node_depth < max_tree_depth
        node_mask = (node_order == node_depth)  # [b,a,n] bool
        depth_cols = np.zeros(HIDDEN, dtype=bool)
        depth_cols[[node_depth * 3, node_depth * 3 + 1, node_depth * 3 + 2]] = True
        depth_mask = jnp.asarray(depth_cols)[None, None, None, :]
        node_mask_expanded = node_mask[:, :, :, None]
        # torch.minimum(node_mask_expanded, depth_mask) -> elementwise AND, then AND index_tensor
        total_mask = node_mask_expanded & depth_mask & index_tensor & depth_active
        pe = jnp.where(total_mask, 1.0, pe)
    return pe


def setup_inputs(seed: int = 0) -> dict:
    key = jax.random.key(seed)
    k1, k2, k3, k4, k5 = jax.random.split(key, 5)
    forest = jax.random.normal(k1, (1, 2, 31, 256), dtype=jnp.float32)
    adjacency = jax.random.randint(k2, (1, 2, 30, 3), 0, 31, dtype=jnp.int64)
    node_order = jax.random.randint(k3, (1, 2, 31), 0, 6, dtype=jnp.int64)
    edge_order = jax.random.randint(k4, (1, 2, 30), 0, 6, dtype=jnp.int64)
    W = jax.random.normal(k5, (HIDDEN, 256), dtype=jnp.float32) * 0.02
    b = jnp.zeros((HIDDEN,), dtype=jnp.float32)
    return {"forest": forest, "adjacency": adjacency, "node_order": node_order,
            "edge_order": edge_order, "W": W, "b": b}


def reference(forest, adjacency, node_order, edge_order, W, b):
    # embedded_forest = self.input_linear(forest)
    embedded_forest = jnp.einsum('banf,hf->banh', forest, W) + b
    # positional encoding per get_positional_encoding's mask-fill logic
    positional_encoding = _positional_encoding(node_order)
    # original calls an undefined `transformer`; treated as identity (see notes)
    output = embedded_forest + positional_encoding
    return output

if __name__ == "__main__":
    import jax
    _d = setup_inputs()
    print(jax.jit(kernel)(*tuple(_d.values())))

</pallas_src>

<mosaic_0001>
#map = affine_map<(d0, d1) -> (0)>
module attributes {stable_mosaic.version = 14 : i64} {
  func.func @_pe_sc_kernel(%arg0: i32, %arg1: i32, %arg2: memref<64xi32, #tpu.memory_space<hbm>>, %arg3: memref<992xf32, #tpu.memory_space<hbm>>, %arg4: memref<64xi32, #tpu.memory_space<vmem>>, %arg5: memref<992xf32, #tpu.memory_space<vmem>>) attributes {dimension_semantics = [#tpu.dimension_semantics<core_parallel>, #tpu.dimension_semantics<subcore_parallel>], iteration_bounds = array<i64: 2, 16>, scalar_prefetch = 0 : i64, scratch_operands = 2 : i64, tpu.core_type = #tpu.core_type<sc_vector_subcore>, window_params = [{transform_indices = #map}, {transform_indices = #map}]} {
    %eq3A = arith.constant 0 : i32
    %eq3A_0 = arith.cmpi eq, %arg0, %eq3A : i32
    %eq3A_1 = arith.constant 0 : i32
    %eq3A_2 = arith.cmpi eq, %arg1, %eq3A_1 : i32
    %and3A = arith.andi %eq3A_0, %eq3A_2 : i1
    %convert_element_type3A = arith.extui %and3A : i1 to i32
    %cond3A = arith.constant 0 : i32
    %cond3A_3 = arith.cmpi ne, %convert_element_type3A, %cond3A : i32
    scf.if %cond3A_3 {
      "tpu.region"() ({
        %run_scoped3A = tpu.sem_alloc : memref<!tpu.dma_semaphore, #tpu.memory_space<semaphore_mem>>
        tpu.enqueue_dma source(%arg2 : memref<64xi32, #tpu.memory_space<hbm>>) target(%arg4 : memref<64xi32, #tpu.memory_space<vmem>>) target_semaphore(%run_scoped3A : memref<!tpu.dma_semaphore, #tpu.memory_space<semaphore_mem>>)
        tpu.wait_dma2 semaphore(%run_scoped3A : memref<!tpu.dma_semaphore, #tpu.memory_space<semaphore_mem>>) src(%arg2 : memref<64xi32, #tpu.memory_space<hbm>>) dst(%arg4 : memref<64xi32, #tpu.memory_space<vmem>>)
        tpu.yield
      }) : () -> ()
      %broadcast_in_dim3A = arith.constant 0.000000e+00 : f32
      %broadcast_in_dim3A_4 = vector.broadcast %broadcast_in_dim3A : f32 to vector<16xf32>
      %swap3A = arith.constant 0 : index
      %swap3A_5 = tpu.vector_load %arg5[%swap3A] {strides = array<i32>} : memref<992xf32, #tpu.memory_space<vmem>>, vector<16xf32>,
      tpu.vector_store %arg5[%swap3A], %broadcast_in_dim3A_4 {strides = array<i32>} : memref<992xf32, #tpu.memory_space<vmem>>, vector<16xf32>,
      %swap3A_6 = arith.constant 16 : index
      %swap3A_7 = tpu.vector_load %arg5[%swap3A_6] {strides = array<i32>} : memref<992xf32, #tpu.memory_space<vmem>>, vector<16xf32>,
      tpu.vector_store %arg5[%swap3A_6], %broadcast_in_dim3A_4 {strides = array<i32>} : memref<992xf32, #tpu.memory_space<vmem>>, vector<16xf32>,
      %swap3A_8 = arith.constant 32 : index
      %swap3A_9 = tpu.vector_load %arg5[%swap3A_8] {strides = array<i32>} : memref<992xf32, #tpu.memory_space<vmem>>, vector<16xf32>,
      tpu.vector_store %arg5[%swap3A_8], %broadcast_in_dim3A_4 {strides = array<i32>} : memref<992xf32, #tpu.memory_space<vmem>>, vector<16xf32>,
      %swap3A_10 = arith.constant 48 : index
      %swap3A_11 = tpu.vector_load %arg5[%swap3A_10] {strides = array<i32>} : memref<992xf32, #tpu.memory_space<vmem>>, vector<16xf32>,
      tpu.vector_store %arg5[%swap3A_10], %broadcast_in_dim3A_4 {strides = array<i32>} : memref<992xf32, #tpu.memory_space<vmem>>, vector<16xf32>,
      %swap3A_12 = arith.constant 64 : index
      %swap3A_13 = tpu.vector_load %arg5[%swap3A_12] {strides = array<i32>} : memref<992xf32, #tpu.memory_space<vmem>>, vector<16xf32>,
      tpu.vector_store %arg5[%swap3A_12], %broadcast_in_dim3A_4 {strides = array<i32>} : memref<992xf32, #tpu.memory_space<vmem>>, vector<16xf32>,
      %swap3A_14 = arith.constant 80 : index
      %swap3A_15 = tpu.vector_load %arg5[%swap3A_14] {strides = array<i32>} : memref<992xf32, #tpu.memory_space<vmem>>, vector<16xf32>,
      tpu.vector_store %arg5[%swap3A_14], %broadcast_in_dim3A_4 {strides = array<i32>} : memref<992xf32, #tpu.memory_space<vmem>>, vector<16xf32>,
      %swap3A_16 = arith.constant 96 : index
      %swap3A_17 = tpu.vector_load %arg5[%swap3A_16] {strides = array<i32>} : memref<992xf32, #tpu.memory_space<vmem>>, vector<16xf32>,
      tpu.vector_store %arg5[%swap3A_16], %broadcast_in_dim3A_4 {strides = array<i32>} : memref<992xf32, #tpu.memory_space<vmem>>, vector<16xf32>,
      %swap3A_18 = arith.constant 112 : index
      %swap3A_19 = tpu.vector_load %arg5[%swap3A_18] {strides = array<i32>} : memref<992xf32, #tpu.memory_space<vmem>>, vector<16xf32>,
      tpu.vector_store %arg5[%swap3A_18], %broadcast_in_dim3A_4 {strides = array<i32>} : memref<992xf32, #tpu.memory_space<vmem>>, vector<16xf32>,
      %swap3A_20 = arith.constant 128 : index
      %swap3A_21 = tpu.vector_load %arg5[%swap3A_20] {strides = array<i32>} : memref<992xf32, #tpu.memory_space<vmem>>, vector<16xf32>,
      tpu.vector_store %arg5[%swap3A_20], %broadcast_in_dim3A_4 {strides = array<i32>} : memref<992xf32, #tpu.memory_space<vmem>>, vector<16xf32>,
      %swap3A_22 = arith.constant 144 : index
      %swap3A_23 = tpu.vector_load %arg5[%swap3A_22] {strides = array<i32>} : memref<992xf32, #tpu.memory_space<vmem>>, vector<16xf32>,
      tpu.vector_store %arg5[%swap3A_22], %broadcast_in_dim3A_4 {strides = array<i32>} : memref<992xf32, #tpu.memory_space<vmem>>, vector<16xf32>,
      %swap3A_24 = arith.constant 160 : index
      %swap3A_25 = tpu.vector_load %arg5[%swap3A_24] {strides = array<i32>} : memref<992xf32, #tpu.memory_space<vmem>>, vector<16xf32>,
      tpu.vector_store %arg5[%swap3A_24], %broadcast_in_dim3A_4 {strides = array<i32>} : memref<992xf32, #tpu.memory_space<vmem>>, vector<16xf32>,
      %swap3A_26 = arith.constant 176 : index
      %swap3A_27 = tpu.vector_load %arg5[%swap3A_26] {strides = array<i32>} : memref<992xf32, #tpu.memory_space<vmem>>, vector<16xf32>,
      tpu.vector_store %arg5[%swap3A_26], %broadcast_in_dim3A_4 {strides = array<i32>} : memref<992xf32, #tpu.memory_space<vmem>>, vector<16xf32>,
      %swap3A_28 = arith.constant 192 : index
      %swap3A_29 = tpu.vector_load %arg5[%swap3A_28] {strides = array<i32>} : memref<992xf32, #tpu.memory_space<vmem>>, vector<16xf32>,
      tpu.vector_store %arg5[%swap3A_28], %broadcast_in_dim3A_4 {strides = array<i32>} : memref<992xf32, #tpu.memory_space<vmem>>, vector<16xf32>,
      %swap3A_30 = arith.constant 208 : index
      %swap3A_31 = tpu.vector_load %arg5[%swap3A_30] {strides = array<i32>} : memref<992xf32, #tpu.memory_space<vmem>>, vector<16xf32>,
      tpu.vector_store %arg5[%swap3A_30], %broadcast_in_dim3A_4 {strides = array<i32>} : memref<992xf32, #tpu.memory_space<vmem>>, vector<16xf32>,
      %swap3A_32 = arith.constant 224 : index
      %swap3A_33 = tpu.vector_load %arg5[%swap3A_32] {strides = array<i32>} : memref<992xf32, #tpu.memory_space<vmem>>, vector<16xf32>,
      tpu.vector_store %arg5[%swap3A_32], %broadcast_in_dim3A_4 {strides = array<i32>} : memref<992xf32, #tpu.memory_space<vmem>>, vector<16xf32>,
      %swap3A_34 = arith.constant 240 : index
      %swap3A_35 = tpu.vector_load %arg5[%swap3A_34] {strides = array<i32>} : memref<992xf32, #tpu.memory_space<vmem>>, vector<16xf32>,
      tpu.vector_store %arg5[%swap3A_34], %broadcast_in_dim3A_4 {strides = array<i32>} : memref<992xf32, #tpu.memory_space<vmem>>, vector<16xf32>,
      %swap3A_36 = arith.constant 256 : index
      %swap3A_37 = tpu.vector_load %arg5[%swap3A_36] {strides = array<i32>} : memref<992xf32, #tpu.memory_space<vmem>>, vector<16xf32>,
      tpu.vector_store %arg5[%swap3A_36], %broadcast_in_dim3A_4 {strides = array<i32>} : memref<992xf32, #tpu.memory_space<vmem>>, vector<16xf32>,
      %swap3A_38 = arith.constant 272 : index
      %swap3A_39 = tpu.vector_load %arg5[%swap3A_38] {strides = array<i32>} : memref<992xf32, #tpu.memory_space<vmem>>, vector<16xf32>,
      tpu.vector_store %arg5[%swap3A_38], %broadcast_in_dim3A_4 {strides = array<i32>} : memref<992xf32, #tpu.memory_space<vmem>>, vector<16xf32>,
      %swap3A_40 = arith.constant 288 : index
      %swap3A_41 = tpu.vector_load %arg5[%swap3A_40] {strides = array<i32>} : memref<992xf32, #tpu.memory_space<vmem>>, vector<16xf32>,
      tpu.vector_store %arg5[%swap3A_40], %broadcast_in_dim3A_4 {strides = array<i32>} : memref<992xf32, #tpu.memory_space<vmem>>, vector<16xf32>,
      %swap3A_42 = arith.constant 304 : index
      %swap3A_43 = tpu.vector_load %arg5[%swap3A_42] {strides = array<i32>} : memref<992xf32, #tpu.memory_space<vmem>>, vector<16xf32>,
      tpu.vector_store %arg5[%swap3A_42], %broadcast_in_dim3A_4 {strides = array<i32>} : memref<992xf32, #tpu.memory_space<vmem>>, vector<16xf32>,
      %swap3A_44 = arith.constant 320 : index
      %swap3A_45 = tpu.vector_load %arg5[%swap3A_44] {strides = array<i32>} : memref<992xf32, #tpu.memory_space<vmem>>, vector<16xf32>,
      tpu.vector_store %arg5[%swap3A_44], %broadcast_in_dim3A_4 {strides = array<i32>} : memref<992xf32, #tpu.memory_space<vmem>>, vector<16xf32>,
      %swap3A_46 = arith.constant 336 : index
      %swap3A_47 = tpu.vector_load %arg5[%swap3A_46] {strides = array<i32>} : memref<992xf32, #tpu.memory_space<vmem>>, vector<16xf32>,
      tpu.vector_store %arg5[%swap3A_46], %broadcast_in_dim3A_4 {strides = array<i32>} : memref<992xf32, #tpu.memory_space<vmem>>, vector<16xf32>,
      %swap3A_48 = arith.constant 352 : index
      %swap3A_49 = tpu.vector_load %arg5[%swap3A_48] {strides = array<i32>} : memref<992xf32, #tpu.memory_space<vmem>>, vector<16xf32>,
      tpu.vector_store %arg5[%swap3A_48], %broadcast_in_dim3A_4 {strides = array<i32>} : memref<992xf32, #tpu.memory_space<vmem>>, vector<16xf32>,
      %swap3A_50 = arith.constant 368 : index
      %swap3A_51 = tpu.vector_load %arg5[%swap3A_50] {strides = array<i32>} : memref<992xf32, #tpu.memory_space<vmem>>, vector<16xf32>,
      tpu.vector_store %arg5[%swap3A_50], %broadcast_in_dim3A_4 {strides = array<i32>} : memref<992xf32, #tpu.memory_space<vmem>>, vector<16xf32>,
      %swap3A_52 = arith.constant 384 : index
      %swap3A_53 = tpu.vector_load %arg5[%swap3A_52] {strides = array<i32>} : memref<992xf32, #tpu.memory_space<vmem>>, vector<16xf32>,
      tpu.vector_store %arg5[%swap3A_52], %broadcast_in_dim3A_4 {strides = array<i32>} : memref<992xf32, #tpu.memory_space<vmem>>, vector<16xf32>,
      %swap3A_54 = arith.constant 400 : index
      %swap3A_55 = tpu.vector_load %arg5[%swap3A_54] {strides = array<i32>} : memref<992xf32, #tpu.memory_space<vmem>>, vector<16xf32>,
      tpu.vector_store %arg5[%swap3A_54], %broadcast_in_dim3A_4 {strides = array<i32>} : memref<992xf32, #tpu.memory_space<vmem>>, vector<16xf32>,
      %swap3A_56 = arith.constant 416 : index
      %swap3A_57 = tpu.vector_load %arg5[%swap3A_56] {strides = array<i32>} : memref<992xf32, #tpu.memory_space<vmem>>, vector<16xf32>,
      tpu.vector_store %arg5[%swap3A_56], %broadcast_in_dim3A_4 {strides = array<i32>} : memref<992xf32, #tpu.memory_space<vmem>>, vector<16xf32>,
      %swap3A_58 = arith.constant 432 : index
      %swap3A_59 = tpu.vector_load %arg5[%swap3A_58] {strides = array<i32>} : memref<992xf32, #tpu.memory_space<vmem>>, vector<16xf32>,
      tpu.vector_store %arg5[%swap3A_58], %broadcast_in_dim3A_4 {strides = array<i32>} : memref<992xf32, #tpu.memory_space<vmem>>, vector<16xf32>,
      %swap3A_60 = arith.constant 448 : index
      %swap3A_61 = tpu.vector_load %arg5[%swap3A_60] {strides = array<i32>} : memref<992xf32, #tpu.memory_space<vmem>>, vector<16xf32>,
      tpu.vector_store %arg5[%swap3A_60], %broadcast_in_dim3A_4 {strides = array<i32>} : memref<992xf32, #tpu.memory_space<vmem>>, vector<16xf32>,
      %swap3A_62 = arith.constant 464 : index
      %swap3A_63 = tpu.vector_load %arg5[%swap3A_62] {strides = array<i32>} : memref<992xf32, #tpu.memory_space<vmem>>, vector<16xf32>,
      tpu.vector_store %arg5[%swap3A_62], %broadcast_in_dim3A_4 {strides = array<i32>} : memref<992xf32, #tpu.memory_space<vmem>>, vector<16xf32>,
      %swap3A_64 = arith.constant 480 : index
      %swap3A_65 = tpu.vector_load %arg5[%swap3A_64] {strides = array<i32>} : memref<992xf32, #tpu.memory_space<vmem>>, vector<16xf32>,
      tpu.vector_store %arg5[%swap3A_64], %broadcast_in_dim3A_4 {strides = array<i32>} : memref<992xf32, #tpu.memory_space<vmem>>, vector<16xf32>,
      %swap3A_66 = arith.constant 496 : index
      %swap3A_67 = tpu.vector_load %arg5[%swap3A_66] {strides = array<i32>} : memref<992xf32, #tpu.memory_space<vmem>>, vector<16xf32>,
      tpu.vector_store %arg5[%swap3A_66], %broadcast_in_dim3A_4 {strides = array<i32>} : memref<992xf32, #tpu.memory_space<vmem>>, vector<16xf32>,
      %swap3A_68 = arith.constant 512 : index
      %swap3A_69 = tpu.vector_load %arg5[%swap3A_68] {strides = array<i32>} : memref<992xf32, #tpu.memory_space<vmem>>, vector<16xf32>,
      tpu.vector_store %arg5[%swap3A_68], %broadcast_in_dim3A_4 {strides = array<i32>} : memref<992xf32, #tpu.memory_space<vmem>>, vector<16xf32>,
      %swap3A_70 = arith.constant 528 : index
      %swap3A_71 = tpu.vector_load %arg5[%swap3A_70] {strides = array<i32>} : memref<992xf32, #tpu.memory_space<vmem>>, vector<16xf32>,
      tpu.vector_store %arg5[%swap3A_70], %broadcast_in_dim3A_4 {strides = array<i32>} : memref<992xf32, #tpu.memory_space<vmem>>, vector<16xf32>,
      %swap3A_72 = arith.constant 544 : index
      %swap3A_73 = tpu.vector_load %arg5[%swap3A_72] {strides = array<i32>} : memref<992xf32, #tpu.memory_space<vmem>>, vector<16xf32>,
      tpu.vector_store %arg5[%swap3A_72], %broadcast_in_dim3A_4 {strides = array<i32>} : memref<992xf32, #tpu.memory_space<vmem>>, vector<16xf32>,
      %swap3A_74 = arith.constant 560 : index
      %swap3A_75 = tpu.vector_load %arg5[%swap3A_74] {strides = array<i32>} : memref<992xf32, #tpu.memory_space<vmem>>, vector<16xf32>,
      tpu.vector_store %arg5[%swap3A_74], %broadcast_in_dim3A_4 {strides = array<i32>} : memref<992xf32, #tpu.memory_space<vmem>>, vector<16xf32>,
      %swap3A_76 = arith.constant 576 : index
      %swap3A_77 = tpu.vector_load %arg5[%swap3A_76] {strides = array<i32>} : memref<992xf32, #tpu.memory_space<vmem>>, vector<16xf32>,
      tpu.vector_store %arg5[%swap3A_76], %broadcast_in_dim3A_4 {strides = array<i32>} : memref<992xf32, #tpu.memory_space<vmem>>, vector<16xf32>,
      %swap3A_78 = arith.constant 592 : index
      %swap3A_79 = tpu.vector_load %arg5[%swap3A_78] {strides = array<i32>} : memref<992xf32, #tpu.memory_space<vmem>>, vector<16xf32>,
      tpu.vector_store %arg5[%swap3A_78], %broadcast_in_dim3A_4 {strides = array<i32>} : memref<992xf32, #tpu.memory_space<vmem>>, vector<16xf32>,
      %swap3A_80 = arith.constant 608 : index
      %swap3A_81 = tpu.vector_load %arg5[%swap3A_80] {strides = array<i32>} : memref<992xf32, #tpu.memory_space<vmem>>, vector<16xf32>,
      tpu.vector_store %arg5[%swap3A_80], %broadcast_in_dim3A_4 {strides = array<i32>} : memref<992xf32, #tpu.memory_space<vmem>>, vector<16xf32>,
      %swap3A_82 = arith.constant 624 : index
      %swap3A_83 = tpu.vector_load %arg5[%swap3A_82] {strides = array<i32>} : memref<992xf32, #tpu.memory_space<vmem>>, vector<16xf32>,
      tpu.vector_store %arg5[%swap3A_82], %broadcast_in_dim3A_4 {strides = array<i32>} : memref<992xf32, #tpu.memory_space<vmem>>, vector<16xf32>,
      %swap3A_84 = arith.constant 640 : index
      %swap3A_85 = tpu.vector_load %arg5[%swap3A_84] {strides = array<i32>} : memref<992xf32, #tpu.memory_space<vmem>>, vector<16xf32>,
      tpu.vector_store %arg5[%swap3A_84], %broadcast_in_dim3A_4 {strides = array<i32>} : memref<992xf32, #tpu.memory_space<vmem>>, vector<16xf32>,
      %swap3A_86 = arith.constant 656 : index
      %swap3A_87 = tpu.vector_load %arg5[%swap3A_86] {strides = array<i32>} : memref<992xf32, #tpu.memory_space<vmem>>, vector<16xf32>,
      tpu.vector_store %arg5[%swap3A_86], %broadcast_in_dim3A_4 {strides = array<i32>} : memref<992xf32, #tpu.memory_space<vmem>>, vector<16xf32>,
      %swap3A_88 = arith.constant 672 : index
      %swap3A_89 = tpu.vector_load %arg5[%swap3A_88] {strides = array<i32>} : memref<992xf32, #tpu.memory_space<vmem>>, vector<16xf32>,
      tpu.vector_store %arg5[%swap3A_88], %broadcast_in_dim3A_4 {strides = array<i32>} : memref<992xf32, #tpu.memory_space<vmem>>, vector<16xf32>,
      %swap3A_90 = arith.constant 688 : index
      %swap3A_91 = tpu.vector_load %arg5[%swap3A_90] {strides = array<i32>} : memref<992xf32, #tpu.memory_space<vmem>>, vector<16xf32>,
      tpu.vector_store %arg5[%swap3A_90], %broadcast_in_dim3A_4 {strides = array<i32>} : memref<992xf32, #tpu.memory_space<vmem>>, vector<16xf32>,
      %swap3A_92 = arith.constant 704 : index
      %swap3A_93 = tpu.vector_load %arg5[%swap3A_92] {strides = array<i32>} : memref<992xf32, #tpu.memory_space<vmem>>, vector<16xf32>,
      tpu.vector_store %arg5[%swap3A_92], %broadcast_in_dim3A_4 {strides = array<i32>} : memref<992xf32, #tpu.memory_space<vmem>>, vector<16xf32>,
      %swap3A_94 = arith.constant 720 : index
      %swap3A_95 = tpu.vector_load %arg5[%swap3A_94] {strides = array<i32>} : memref<992xf32, #tpu.memory_space<vmem>>, vector<16xf32>,
      tpu.vector_store %arg5[%swap3A_94], %broadcast_in_dim3A_4 {strides = array<i32>} : memref<992xf32, #tpu.memory_space<vmem>>, vector<16xf32>,
      %swap3A_96 = arith.constant 736 : index
      %swap3A_97 = tpu.vector_load %arg5[%swap3A_96] {strides = array<i32>} : memref<992xf32, #tpu.memory_space<vmem>>, vector<16xf32>,
      tpu.vector_store %arg5[%swap3A_96], %broadcast_in_dim3A_4 {strides = array<i32>} : memref<992xf32, #tpu.memory_space<vmem>>, vector<16xf32>,
      %swap3A_98 = arith.constant 752 : index
      %swap3A_99 = tpu.vector_load %arg5[%swap3A_98] {strides = array<i32>} : memref<992xf32, #tpu.memory_space<vmem>>, vector<16xf32>,
      tpu.vector_store %arg5[%swap3A_98], %broadcast_in_dim3A_4 {strides = array<i32>} : memref<992xf32, #tpu.memory_space<vmem>>, vector<16xf32>,
      %swap3A_100 = arith.constant 768 : index
      %swap3A_101 = tpu.vector_load %arg5[%swap3A_100] {strides = array<i32>} : memref<992xf32, #tpu.memory_space<vmem>>, vector<16xf32>,
      tpu.vector_store %arg5[%swap3A_100], %broadcast_in_dim3A_4 {strides = array<i32>} : memref<992xf32, #tpu.memory_space<vmem>>, vector<16xf32>,
      %swap3A_102 = arith.constant 784 : index
      %swap3A_103 = tpu.vector_load %arg5[%swap3A_102] {strides = array<i32>} : memref<992xf32, #tpu.memory_space<vmem>>, vector<16xf32>,
      tpu.vector_store %arg5[%swap3A_102], %broadcast_in_dim3A_4 {strides = array<i32>} : memref<992xf32, #tpu.memory_space<vmem>>, vector<16xf32>,
      %swap3A_104 = arith.constant 800 : index
      %swap3A_105 = tpu.vector_load %arg5[%swap3A_104] {strides = array<i32>} : memref<992xf32, #tpu.memory_space<vmem>>, vector<16xf32>,
      tpu.vector_store %arg5[%swap3A_104], %broadcast_in_dim3A_4 {strides = array<i32>} : memref<992xf32, #tpu.memory_space<vmem>>, vector<16xf32>,
      %swap3A_106 = arith.constant 816 : index
      %swap3A_107 = tpu.vector_load %arg5[%swap3A_106] {strides = array<i32>} : memref<992xf32, #tpu.memory_space<vmem>>, vector<16xf32>,
      tpu.vector_store %arg5[%swap3A_106], %broadcast_in_dim3A_4 {strides = array<i32>} : memref<992xf32, #tpu.memory_space<vmem>>, vector<16xf32>,
      %swap3A_108 = arith.constant 832 : index
      %swap3A_109 = tpu.vector_load %arg5[%swap3A_108] {strides = array<i32>} : memref<992xf32, #tpu.memory_space<vmem>>, vector<16xf32>,
      tpu.vector_store %arg5[%swap3A_108], %broadcast_in_dim3A_4 {strides = array<i32>} : memref<992xf32, #tpu.memory_space<vmem>>, vector<16xf32>,
      %swap3A_110 = arith.constant 848 : index
      %swap3A_111 = tpu.vector_load %arg5[%swap3A_110] {strides = array<i32>} : memref<992xf32, #tpu.memory_space<vmem>>, vector<16xf32>,
      tpu.vector_store %arg5[%swap3A_110], %broadcast_in_dim3A_4 {strides = array<i32>} : memref<992xf32, #tpu.memory_space<vmem>>, vector<16xf32>,
      %swap3A_112 = arith.constant 864 : index
      %swap3A_113 = tpu.vector_load %arg5[%swap3A_112] {strides = array<i32>} : memref<992xf32, #tpu.memory_space<vmem>>, vector<16xf32>,
      tpu.vector_store %arg5[%swap3A_112], %broadcast_in_dim3A_4 {strides = array<i32>} : memref<992xf32, #tpu.memory_space<vmem>>, vector<16xf32>,
      %swap3A_114 = arith.constant 880 : index
      %swap3A_115 = tpu.vector_load %arg5[%swap3A_114] {strides = array<i32>} : memref<992xf32, #tpu.memory_space<vmem>>, vector<16xf32>,
      tpu.vector_store %arg5[%swap3A_114], %broadcast_in_dim3A_4 {strides = array<i32>} : memref<992xf32, #tpu.memory_space<vmem>>, vector<16xf32>,
      %swap3A_116 = arith.constant 896 : index
      %swap3A_117 = tpu.vector_load %arg5[%swap3A_116] {strides = array<i32>} : memref<992xf32, #tpu.memory_space<vmem>>, vector<16xf32>,
      tpu.vector_store %arg5[%swap3A_116], %broadcast_in_dim3A_4 {strides = array<i32>} : memref<992xf32, #tpu.memory_space<vmem>>, vector<16xf32>,
      %swap3A_118 = arith.constant 912 : index
      %swap3A_119 = tpu.vector_load %arg5[%swap3A_118] {strides = array<i32>} : memref<992xf32, #tpu.memory_space<vmem>>, vector<16xf32>,
      tpu.vector_store %arg5[%swap3A_118], %broadcast_in_dim3A_4 {strides = array<i32>} : memref<992xf32, #tpu.memory_space<vmem>>, vector<16xf32>,
      %swap3A_120 = arith.constant 928 : index
      %swap3A_121 = tpu.vector_load %arg5[%swap3A_120] {strides = array<i32>} : memref<992xf32, #tpu.memory_space<vmem>>, vector<16xf32>,
      tpu.vector_store %arg5[%swap3A_120], %broadcast_in_dim3A_4 {strides = array<i32>} : memref<992xf32, #tpu.memory_space<vmem>>, vector<16xf32>,
      %swap3A_122 = arith.constant 944 : index
      %swap3A_123 = tpu.vector_load %arg5[%swap3A_122] {strides = array<i32>} : memref<992xf32, #tpu.memory_space<vmem>>, vector<16xf32>,
      tpu.vector_store %arg5[%swap3A_122], %broadcast_in_dim3A_4 {strides = array<i32>} : memref<992xf32, #tpu.memory_space<vmem>>, vector<16xf32>,
      %swap3A_124 = arith.constant 960 : index
      %swap3A_125 = tpu.vector_load %arg5[%swap3A_124] {strides = array<i32>} : memref<992xf32, #tpu.memory_space<vmem>>, vector<16xf32>,
      tpu.vector_store %arg5[%swap3A_124], %broadcast_in_dim3A_4 {strides = array<i32>} : memref<992xf32, #tpu.memory_space<vmem>>, vector<16xf32>,
      %swap3A_126 = arith.constant 976 : index
      %swap3A_127 = tpu.vector_load %arg5[%swap3A_126] {strides = array<i32>} : memref<992xf32, #tpu.memory_space<vmem>>, vector<16xf32>,
      tpu.vector_store %arg5[%swap3A_126], %broadcast_in_dim3A_4 {strides = array<i32>} : memref<992xf32, #tpu.memory_space<vmem>>, vector<16xf32>,
      %get3A = arith.constant 0 : index
      %get3A_128 = tpu.vector_load %arg4[%get3A] {strides = array<i32>} : memref<64xi32, #tpu.memory_space<vmem>>, vector<16xi32>,
      %get3A_129 = arith.constant 16 : index
      %get3A_130 = tpu.vector_load %arg4[%get3A_129] {strides = array<i32>} : memref<64xi32, #tpu.memory_space<vmem>>, vector<16xi32>,
      %max3A = arith.maxsi %get3A_128, %get3A_130 : vector<16xi32>
      %get3A_131 = arith.constant 32 : index
      %get3A_132 = tpu.vector_load %arg4[%get3A_131] {strides = array<i32>} : memref<64xi32, #tpu.memory_space<vmem>>, vector<16xi32>,
      %max3A_133 = arith.maxsi %max3A, %get3A_132 : vector<16xi32>
      %get3A_134 = arith.constant 48 : index
      %get3A_135 = tpu.vector_load %arg4[%get3A_134] {strides = array<i32>} : memref<64xi32, #tpu.memory_space<vmem>>, vector<16xi32>,
      %max3A_136 = arith.maxsi %max3A_133, %get3A_135 : vector<16xi32>
      %slice3A = vector.extract_strided_slice %max3A_136 {offsets = [0], sizes = [1], strides = [1]} : vector<16xi32> to vector<1xi32>
      %squeeze3A = vector.extract %slice3A[0] : i32 from vector<1xi32>
      %slice3A_137 = vector.extract_strided_slice %max3A_136 {offsets = [1], sizes = [1], strides = [1]} : vector<16xi32> to vector<1xi32>
      %squeeze3A_138 = vector.extract %slice3A_137[0] : i32 from vector<1xi32>
      %max3A_139 = arith.maxsi %squeeze3A, %squeeze3A_138 : i32
      %slice3A_140 = vector.extract_strided_slice %max3A_136 {offsets = [2], sizes = [1], strides = [1]} : vector<16xi32> to vector<1xi32>
      %squeeze3A_141 = vector.extract %slice3A_140[0] : i32 from vector<1xi32>
      %max3A_142 = arith.maxsi %max3A_139, %squeeze3A_141 : i32
      %slice3A_143 = vector.extract_strided_slice %max3A_136 {offsets = [3], sizes = [1], strides = [1]} : vector<16xi32> to vector<1xi32>
      %squeeze3A_144 = vector.extract %slice3A_143[0] : i32 from vector<1xi32>
      %max3A_145 = arith.maxsi %max3A_142, %squeeze3A_144 : i32
      %slice3A_146 = vector.extract_strided_slice %max3A_136 {offsets = [4], sizes = [1], strides = [1]} : vector<16xi32> to vector<1xi32>
      %squeeze3A_147 = vector.extract %slice3A_146[0] : i32 from vector<1xi32>
      %max3A_148 = arith.maxsi %max3A_145, %squeeze3A_147 : i32
      %slice3A_149 = vector.extract_strided_slice %max3A_136 {offsets = [5], sizes = [1], strides = [1]} : vector<16xi32> to vector<1xi32>
      %squeeze3A_150 = vector.extract %slice3A_149[0] : i32 from vector<1xi32>
      %max3A_151 = arith.maxsi %max3A_148, %squeeze3A_150 : i32
      %slice3A_152 = vector.extract_strided_slice %max3A_136 {offsets = [6], sizes = [1], strides = [1]} : vector<16xi32> to vector<1xi32>
      %squeeze3A_153 = vector.extract %slice3A_152[0] : i32 from vector<1xi32>
      %max3A_154 = arith.maxsi %max3A_151, %squeeze3A_153 : i32
      %slice3A_155 = vector.extract_strided_slice %max3A_136 {offsets = [7], sizes = [1], strides = [1]} : vector<16xi32> to vector<1xi32>
      %squeeze3A_156 = vector.extract %slice3A_155[0] : i32 from vector<1xi32>
      %max3A_157 = arith.maxsi %max3A_154, %squeeze3A_156 : i32
      %slice3A_158 = vector.extract_strided_slice %max3A_136 {offsets = [8], sizes = [1], strides = [1]} : vector<16xi32> to vector<1xi32>
      %squeeze3A_159 = vector.extract %slice3A_158[0] : i32 from vector<1xi32>
      %max3A_160 = arith.maxsi %max3A_157, %squeeze3A_159 : i32
      %slice3A_161 = vector.extract_strided_slice %max3A_136 {offsets = [9], sizes = [1], strides = [1]} : vector<16xi32> to vector<1xi32>
      %squeeze3A_162 = vector.extract %slice3A_161[0] : i32 from vector<1xi32>
      %max3A_163 = arith.maxsi %max3A_160, %squeeze3A_162 : i32
      %slice3A_164 = vector.extract_strided_slice %max3A_136 {offsets = [10], sizes = [1], strides = [1]} : vector<16xi32> to vector<1xi32>
      %squeeze3A_165 = vector.extract %slice3A_164[0] : i32 from vector<1xi32>
      %max3A_166 = arith.maxsi %max3A_163, %squeeze3A_165 : i32
      %slice3A_167 = vector.extract_strided_slice %max3A_136 {offsets = [11], sizes = [1], strides = [1]} : vector<16xi32> to vector<1xi32>
      %squeeze3A_168 = vector.extract %slice3A_167[0] : i32 from vector<1xi32>
      %max3A_169 = arith.maxsi %max3A_166, %squeeze3A_168 : i32
      %slice3A_170 = vector.extract_strided_slice %max3A_136 {offsets = [12], sizes = [1], strides = [1]} : vector<16xi32> to vector<1xi32>
      %squeeze3A_171 = vector.extract %slice3A_170[0] : i32 from vector<1xi32>
      %max3A_172 = arith.maxsi %max3A_169, %squeeze3A_171 : i32
      %slice3A_173 = vector.extract_strided_slice %max3A_136 {offsets = [13], sizes = [1], strides = [1]} : vector<16xi32> to vector<1xi32>
      %squeeze3A_174 = vector.extract %slice3A_173[0] : i32 from vector<1xi32>
      %max3A_175 = arith.maxsi %max3A_172, %squeeze3A_174 : i32
      %slice3A_176 = vector.extract_strided_slice %max3A_136 {offsets = [14], sizes = [1], strides = [1]} : vector<16xi32> to vector<1xi32>
      %squeeze3A_177 = vector.extract %slice3A_176[0] : i32 from vector<1xi32>
      %max3A_178 = arith.maxsi %max3A_175, %squeeze3A_177 : i32
      %slice3A_179 = vector.extract_strided_slice %max3A_136 {offsets = [15], sizes = [1], strides = [1]} : vector<16xi32> to vector<1xi32>
      %squeeze3A_180 = vector.extract %slice3A_179[0] : i32 from vector<1xi32>
      %max3A_181 = arith.maxsi %max3A_178, %squeeze3A_180 : i32
      %broadcast_in_dim3A_182 = arith.constant 1.000000e+00 : f32
      %broadcast_in_dim3A_183 = vector.broadcast %broadcast_in_dim3A_182 : f32 to vector<16xf32>
      %iota3A = tpu.iota {dimensions = array<i32: 0>} : vector<16xi32>
      %add3A = arith.constant 0 : i32
      %add3A_184 = vector.broadcast %add3A : i32 to vector<16xi32>
      %add3A_185 = arith.addi %add3A_184, %iota3A : vector<16xi32>
      %get3A_186 = arith.constant 0 : index
      %get3A_187 = tpu.vector_load %arg4[%get3A_186] {strides = array<i32>} : memref<64xi32, #tpu.memory_space<vmem>>, vector<16xi32>,
      %jit3A = arith.constant 31 : i32
      %eq3A_188 = arith.constant 0 : i32
      %eq3A_189 = arith.cmpi eq, %jit3A, %eq3A_188 : i32
      %jit3A_190 = arith.constant 1 : i32
      %select_n3A = arith.select %eq3A_189, %jit3A_190, %jit3A : i32
      %rem3A = vector.broadcast %select_n3A : i32 to vector<16xi32>
      %rem3A_191 = arith.remsi %add3A_185, %rem3A : vector<16xi32>
      %ne3A = arith.constant 0 : i32
      %ne3A_192 = vector.broadcast %ne3A : i32 to vector<16xi32>
      %ne3A_193 = arith.cmpi ne, %rem3A_191, %ne3A_192 : vector<16xi32>
      %lt3A = arith.constant 0 : i32
      %lt3A_194 = vector.broadcast %lt3A : i32 to vector<16xi32>
      %lt3A_195 = arith.cmpi slt, %rem3A_191, %lt3A_194 : vector<16xi32>
      %lt3A_196 = arith.constant 0 : i32
      %lt3A_197 = arith.cmpi slt, %select_n3A, %lt3A_196 : i32
      %ne3A_198 = vector.broadcast %lt3A_197 : i1 to vector<16xi1>
      %ne3A_199 = vector.broadcast %ne3A_198 : vector<16xi1> to vector<16xi1>
      %ne3A_200 = arith.xori %lt3A_195, %ne3A_199 : vector<16xi1>
      %and3A_201 = arith.andi %ne3A_200, %ne3A_193 : vector<16xi1>
      %add3A_202 = vector.broadcast %select_n3A : i32 to vector<16xi32>
      %add3A_203 = arith.addi %rem3A_191, %add3A_202 : vector<16xi32>
      %select_n3A_204 = arith.select %and3A_201, %add3A_203, %rem3A_191 : vector<16xi1>, vector<16xi32>
      %mul3A = arith.constant 3 : i32
      %mul3A_205 = vector.broadcast %mul3A : i32 to vector<16xi32>
      %mul3A_206 = arith.muli %mul3A_205, %get3A_187 : vector<16xi32>
      %add3A_207 = arith.constant 2 : i32
      %add3A_208 = vector.broadcast %add3A_207 : i32 to vector<16xi32>
      %add3A_209 = arith.addi %select_n3A_204, %add3A_208 : vector<16xi32>
      %jit3A_210 = arith.constant 3 : i32
      %eq3A_211 = arith.constant 0 : i32
      %eq3A_212 = arith.cmpi eq, %jit3A_210, %eq3A_211 : i32
      %jit3A_213 = arith.constant 1 : i32
      %select_n3A_214 = arith.select %eq3A_212, %jit3A_213, %jit3A_210 : i32
      %rem3A_215 = vector.broadcast %select_n3A_214 : i32 to vector<16xi32>
      %rem3A_216 = arith.remsi %add3A_209, %rem3A_215 : vector<16xi32>
      %ne3A_217 = arith.constant 0 : i32
      %ne3A_218 = vector.broadcast %ne3A_217 : i32 to vector<16xi32>
      %ne3A_219 = arith.cmpi ne, %rem3A_216, %ne3A_218 : vector<16xi32>
      %lt3A_220 = arith.constant 0 : i32
      %lt3A_221 = vector.broadcast %lt3A_220 : i32 to vector<16xi32>
      %lt3A_222 = arith.cmpi slt, %rem3A_216, %lt3A_221 : vector<16xi32>
      %lt3A_223 = arith.constant 0 : i32
      %lt3A_224 = arith.cmpi slt, %select_n3A_214, %lt3A_223 : i32
      %ne3A_225 = vector.broadcast %lt3A_224 : i1 to vector<16xi1>
      %ne3A_226 = vector.broadcast %ne3A_225 : vector<16xi1> to vector<16xi1>
      %ne3A_227 = arith.xori %lt3A_222, %ne3A_226 : vector<16xi1>
      %and3A_228 = arith.andi %ne3A_227, %ne3A_219 : vector<16xi1>
      %add3A_229 = vector.broadcast %select_n3A_214 : i32 to vector<16xi32>
      %add3A_230 = arith.addi %rem3A_216, %add3A_229 : vector<16xi32>
      %select_n3A_231 = arith.select %and3A_228, %add3A_230, %rem3A_216 : vector<16xi1>, vector<16xi32>
      %add3A_232 = arith.addi %mul3A_206, %select_n3A_231 : vector<16xi32>
      %ne3A_233 = arith.constant 0 : i32
      %ne3A_234 = vector.broadcast %ne3A_233 : i32 to vector<16xi32>
      %ne3A_235 = arith.cmpi ne, %select_n3A_204, %ne3A_234 : vector<16xi32>
      %lt3A_236 = arith.constant 5 : i32
      %lt3A_237 = vector.broadcast %lt3A_236 : i32 to vector<16xi32>
      %lt3A_238 = arith.cmpi slt, %get3A_187, %lt3A_237 : vector<16xi32>
      %and3A_239 = arith.andi %ne3A_235, %lt3A_238 : vector<16xi1>
      %lt3A_240 = vector.broadcast %max3A_181 : i32 to vector<16xi32>
      %lt3A_241 = arith.cmpi slt, %get3A_187, %lt3A_240 : vector<16xi32>
      %and3A_242 = arith.andi %and3A_239, %lt3A_241 : vector<16xi1>
      %lt3A_243 = arith.constant 62 : i32
      %lt3A_244 = vector.broadcast %lt3A_243 : i32 to vector<16xi32>
      %lt3A_245 = arith.cmpi slt, %add3A_185, %lt3A_244 : vector<16xi32>
      %and3A_246 = arith.andi %and3A_242, %lt3A_245 : vector<16xi1>
      %mul3A_247 = arith.constant 16 : i32
      %mul3A_248 = vector.broadcast %mul3A_247 : i32 to vector<16xi32>
      %mul3A_249 = arith.muli %add3A_185, %mul3A_248 : vector<16xi32>
      %add3A_250 = arith.addi %mul3A_249, %add3A_232 : vector<16xi32>
      tpu.vector_store_idx %arg5[%add3A_250], %broadcast_in_dim3A_183 masked %and3A_246 : memref<992xf32, #tpu.memory_space<vmem>>[vector<16xi32>], vector<16xf32>, vector<16xi1>
      %add3A_251 = arith.constant 16 : i32
      %add3A_252 = vector.broadcast %add3A_251 : i32 to vector<16xi32>
      %add3A_253 = arith.addi %add3A_252, %iota3A : vector<16xi32>
      %get3A_254 = arith.constant 16 : index
      %get3A_255 = tpu.vector_load %arg4[%get3A_254] {strides = array<i32>} : memref<64xi32, #tpu.memory_space<vmem>>, vector<16xi32>,
      %jit3A_256 = arith.constant 31 : i32
      %eq3A_257 = arith.constant 0 : i32
      %eq3A_258 = arith.cmpi eq, %jit3A_256, %eq3A_257 : i32
      %jit3A_259 = arith.constant 1 : i32
      %select_n3A_260 = arith.select %eq3A_258, %jit3A_259, %jit3A_256 : i32
      %rem3A_261 = vector.broadcast %select_n3A_260 : i32 to vector<16xi32>
      %rem3A_262 = arith.remsi %add3A_253, %rem3A_261 : vector<16xi32>
      %ne3A_263 = arith.constant 0 : i32
      %ne3A_264 = vector.broadcast %ne3A_263 : i32 to vector<16xi32>
      %ne3A_265 = arith.cmpi ne, %rem3A_262, %ne3A_264 : vector<16xi32>
      %lt3A_266 = arith.constant 0 : i32
      %lt3A_267 = vector.broadcast %lt3A_266 : i32 to vector<16xi32>
      %lt3A_268 = arith.cmpi slt, %rem3A_262, %lt3A_267 : vector<16xi32>
      %lt3A_269 = arith.constant 0 : i32
      %lt3A_270 = arith.cmpi slt, %select_n3A_260, %lt3A_269 : i32
      %ne3A_271 = vector.broadcast %lt3A_270 : i1 to vector<16xi1>
      %ne3A_272 = vector.broadcast %ne3A_271 : vector<16xi1> to vector<16xi1>
      %ne3A_273 = arith.xori %lt3A_268, %ne3A_272 : vector<16xi1>
      %and3A_274 = arith.andi %ne3A_273, %ne3A_265 : vector<16xi1>
      %add3A_275 = vector.broadcast %select_n3A_260 : i32 to vector<16xi32>
      %add3A_276 = arith.addi %rem3A_262, %add3A_275 : vector<16xi32>
      %select_n3A_277 = arith.select %and3A_274, %add3A_276, %rem3A_262 : vector<16xi1>, vector<16xi32>
      %mul3A_278 = arith.constant 3 : i32
      %mul3A_279 = vector.broadcast %mul3A_278 : i32 to vector<16xi32>
      %mul3A_280 = arith.muli %mul3A_279, %get3A_255 : vector<16xi32>
      %add3A_281 = arith.constant 2 : i32
      %add3A_282 = vector.broadcast %add3A_281 : i32 to vector<16xi32>
      %add3A_283 = arith.addi %select_n3A_277, %add3A_282 : vector<16xi32>
      %jit3A_284 = arith.constant 3 : i32
      %eq3A_285 = arith.constant 0 : i32
      %eq3A_286 = arith.cmpi eq, %jit3A_284, %eq3A_285 : i32
      %jit3A_287 = arith.constant 1 : i32
      %select_n3A_288 = arith.select %eq3A_286, %jit3A_287, %jit3A_284 : i32
      %rem3A_289 = vector.broadcast %select_n3A_288 : i32 to vector<16xi32>
      %rem3A_290 = arith.remsi %add3A_283, %rem3A_289 : vector<16xi32>
      %ne3A_291 = arith.constant 0 : i32
      %ne3A_292 = vector.broadcast %ne3A_291 : i32 to vector<16xi32>
      %ne3A_293 = arith.cmpi ne, %rem3A_290, %ne3A_292 : vector<16xi32>
      %lt3A_294 = arith.constant 0 : i32
      %lt3A_295 = vector.broadcast %lt3A_294 : i32 to vector<16xi32>
      %lt3A_296 = arith.cmpi slt, %rem3A_290, %lt3A_295 : vector<16xi32>
      %lt3A_297 = arith.constant 0 : i32
      %lt3A_298 = arith.cmpi slt, %select_n3A_288, %lt3A_297 : i32
      %ne3A_299 = vector.broadcast %lt3A_298 : i1 to vector<16xi1>
      %ne3A_300 = vector.broadcast %ne3A_299 : vector<16xi1> to vector<16xi1>
      %ne3A_301 = arith.xori %lt3A_296, %ne3A_300 : vector<16xi1>
      %and3A_302 = arith.andi %ne3A_301, %ne3A_293 : vector<16xi1>
      %add3A_303 = vector.broadcast %select_n3A_288 : i32 to vector<16xi32>
      %add3A_304 = arith.addi %rem3A_290, %add3A_303 : vector<16xi32>
      %select_n3A_305 = arith.select %and3A_302, %add3A_304, %rem3A_290 : vector<16xi1>, vector<16xi32>
      %add3A_306 = arith.addi %mul3A_280, %select_n3A_305 : vector<16xi32>
      %ne3A_307 = arith.constant 0 : i32
      %ne3A_308 = vector.broadcast %ne3A_307 : i32 to vector<16xi32>
      %ne3A_309 = arith.cmpi ne, %select_n3A_277, %ne3A_308 : vector<16xi32>
      %lt3A_310 = arith.constant 5 : i32
      %lt3A_311 = vector.broadcast %lt3A_310 : i32 to vector<16xi32>
      %lt3A_312 = arith.cmpi slt, %get3A_255, %lt3A_311 : vector<16xi32>
      %and3A_313 = arith.andi %ne3A_309, %lt3A_312 : vector<16xi1>
      %lt3A_314 = vector.broadcast %max3A_181 : i32 to vector<16xi32>
      %lt3A_315 = arith.cmpi slt, %get3A_255, %lt3A_314 : vector<16xi32>
      %and3A_316 = arith.andi %and3A_313, %lt3A_315 : vector<16xi1>
      %lt3A_317 = arith.constant 62 : i32
      %lt3A_318 = vector.broadcast %lt3A_317 : i32 to vector<16xi32>
      %lt3A_319 = arith.cmpi slt, %add3A_253, %lt3A_318 : vector<16xi32>
      %and3A_320 = arith.andi %and3A_316, %lt3A_319 : vector<16xi1>
      %mul3A_321 = arith.constant 16 : i32
      %mul3A_322 = vector.broadcast %mul3A_321 : i32 to vector<16xi32>
      %mul3A_323 = arith.muli %add3A_253, %mul3A_322 : vector<16xi32>
      %add3A_324 = arith.addi %mul3A_323, %add3A_306 : vector<16xi32>
      tpu.vector_store_idx %arg5[%add3A_324], %broadcast_in_dim3A_183 masked %and3A_320 : memref<992xf32, #tpu.memory_space<vmem>>[vector<16xi32>], vector<16xf32>, vector<16xi1>
      %add3A_325 = arith.constant 32 : i32
      %add3A_326 = vector.broadcast %add3A_325 : i32 to vector<16xi32>
      %add3A_327 = arith.addi %add3A_326, %iota3A : vector<16xi32>
      %get3A_328 = arith.constant 32 : index
      %get3A_329 = tpu.vector_load %arg4[%get3A_328] {strides = array<i32>} : memref<64xi32, #tpu.memory_space<vmem>>, vector<16xi32>,
      %jit3A_330 = arith.constant 31 : i32
      %eq3A_331 = arith.constant 0 : i32
      %eq3A_332 = arith.cmpi eq, %jit3A_330, %eq3A_331 : i32
      %jit3A_333 = arith.constant 1 : i32
      %select_n3A_334 = arith.select %eq3A_332, %jit3A_333, %jit3A_330 : i32
      %rem3A_335 = vector.broadcast %select_n3A_334 : i32 to vector<16xi32>
      %rem3A_336 = arith.remsi %add3A_327, %rem3A_335 : vector<16xi32>
      %ne3A_337 = arith.constant 0 : i32
      %ne3A_338 = vector.broadcast %ne3A_337 : i32 to vector<16xi32>
      %ne3A_339 = arith.cmpi ne, %rem3A_336, %ne3A_338 : vector<16xi32>
      %lt3A_340 = arith.constant 0 : i32
      %lt3A_341 = vector.broadcast %lt3A_340 : i32 to vector<16xi32>
      %lt3A_342 = arith.cmpi slt, %rem3A_336, %lt3A_341 : vector<16xi32>
      %lt3A_343 = arith.constant 0 : i32
      %lt3A_344 = arith.cmpi slt, %select_n3A_334, %lt3A_343 : i32
      %ne3A_345 = vector.broadcast %lt3A_344 : i1 to vector<16xi1>
      %ne3A_346 = vector.broadcast %ne3A_345 : vector<16xi1> to vector<16xi1>
      %ne3A_347 = arith.xori %lt3A_342, %ne3A_346 : vector<16xi1>
      %and3A_348 = arith.andi %ne3A_347, %ne3A_339 : vector<16xi1>
      %add3A_349 = vector.broadcast %select_n3A_334 : i32 to vector<16xi32>
      %add3A_350 = arith.addi %rem3A_336, %add3A_349 : vector<16xi32>
      %select_n3A_351 = arith.select %and3A_348, %add3A_350, %rem3A_336 : vector<16xi1>, vector<16xi32>
      %mul3A_352 = arith.constant 3 : i32
      %mul3A_353 = vector.broadcast %mul3A_352 : i32 to vector<16xi32>
      %mul3A_354 = arith.muli %mul3A_353, %get3A_329 : vector<16xi32>
      %add3A_355 = arith.constant 2 : i32
      %add3A_356 = vector.broadcast %add3A_355 : i32 to vector<16xi32>
      %add3A_357 = arith.addi %select_n3A_351, %add3A_356 : vector<16xi32>
      %jit3A_358 = arith.constant 3 : i32
      %eq3A_359 = arith.constant 0 : i32
      %eq3A_360 = arith.cmpi eq, %jit3A_358, %eq3A_359 : i32
      %jit3A_361 = arith.constant 1 : i32
      %select_n3A_362 = arith.select %eq3A_360, %jit3A_361, %jit3A_358 : i32
      %rem3A_363 = vector.broadcast %select_n3A_362 : i32 to vector<16xi32>
      %rem3A_364 = arith.remsi %add3A_357, %rem3A_363 : vector<16xi32>
      %ne3A_365 = arith.constant 0 : i32
      %ne3A_366 = vector.broadcast %ne3A_365 : i32 to vector<16xi32>
      %ne3A_367 = arith.cmpi ne, %rem3A_364, %ne3A_366 : vector<16xi32>
      %lt3A_368 = arith.constant 0 : i32
      %lt3A_369 = vector.broadcast %lt3A_368 : i32 to vector<16xi32>
      %lt3A_370 = arith.cmpi slt, %rem3A_364, %lt3A_369 : vector<16xi32>
      %lt3A_371 = arith.constant 0 : i32
      %lt3A_372 = arith.cmpi slt, %select_n3A_362, %lt3A_371 : i32
      %ne3A_373 = vector.broadcast %lt3A_372 : i1 to vector<16xi1>
      %ne3A_374 = vector.broadcast %ne3A_373 : vector<16xi1> to vector<16xi1>
      %ne3A_375 = arith.xori %lt3A_370, %ne3A_374 : vector<16xi1>
      %and3A_376 = arith.andi %ne3A_375, %ne3A_367 : vector<16xi1>
      %add3A_377 = vector.broadcast %select_n3A_362 : i32 to vector<16xi32>
      %add3A_378 = arith.addi %rem3A_364, %add3A_377 : vector<16xi32>
      %select_n3A_379 = arith.select %and3A_376, %add3A_378, %rem3A_364 : vector<16xi1>, vector<16xi32>
      %add3A_380 = arith.addi %mul3A_354, %select_n3A_379 : vector<16xi32>
      %ne3A_381 = arith.constant 0 : i32
      %ne3A_382 = vector.broadcast %ne3A_381 : i32 to vector<16xi32>
      %ne3A_383 = arith.cmpi ne, %select_n3A_351, %ne3A_382 : vector<16xi32>
      %lt3A_384 = arith.constant 5 : i32
      %lt3A_385 = vector.broadcast %lt3A_384 : i32 to vector<16xi32>
      %lt3A_386 = arith.cmpi slt, %get3A_329, %lt3A_385 : vector<16xi32>
      %and3A_387 = arith.andi %ne3A_383, %lt3A_386 : vector<16xi1>
      %lt3A_388 = vector.broadcast %max3A_181 : i32 to vector<16xi32>
      %lt3A_389 = arith.cmpi slt, %get3A_329, %lt3A_388 : vector<16xi32>
      %and3A_390 = arith.andi %and3A_387, %lt3A_389 : vector<16xi1>
      %lt3A_391 = arith.constant 62 : i32
      %lt3A_392 = vector.broadcast %lt3A_391 : i32 to vector<16xi32>
      %lt3A_393 = arith.cmpi slt, %add3A_327, %lt3A_392 : vector<16xi32>
      %and3A_394 = arith.andi %and3A_390, %lt3A_393 : vector<16xi1>
      %mul3A_395 = arith.constant 16 : i32
      %mul3A_396 = vector.broadcast %mul3A_395 : i32 to vector<16xi32>
      %mul3A_397 = arith.muli %add3A_327, %mul3A_396 : vector<16xi32>
      %add3A_398 = arith.addi %mul3A_397, %add3A_380 : vector<16xi32>
      tpu.vector_store_idx %arg5[%add3A_398], %broadcast_in_dim3A_183 masked %and3A_394 : memref<992xf32, #tpu.memory_space<vmem>>[vector<16xi32>], vector<16xf32>, vector<16xi1>
      %add3A_399 = arith.constant 48 : i32
      %add3A_400 = vector.broadcast %add3A_399 : i32 to vector<16xi32>
      %add3A_401 = arith.addi %add3A_400, %iota3A : vector<16xi32>
      %get3A_402 = arith.constant 48 : index
      %get3A_403 = tpu.vector_load %arg4[%get3A_402] {strides = array<i32>} : memref<64xi32, #tpu.memory_space<vmem>>, vector<16xi32>,
      %jit3A_404 = arith.constant 31 : i32
      %eq3A_405 = arith.constant 0 : i32
      %eq3A_406 = arith.cmpi eq, %jit3A_404, %eq3A_405 : i32
      %jit3A_407 = arith.constant 1 : i32
      %select_n3A_408 = arith.select %eq3A_406, %jit3A_407, %jit3A_404 : i32
      %rem3A_409 = vector.broadcast %select_n3A_408 : i32 to vector<16xi32>
      %rem3A_410 = arith.remsi %add3A_401, %rem3A_409 : vector<16xi32>
      %ne3A_411 = arith.constant 0 : i32
      %ne3A_412 = vector.broadcast %ne3A_411 : i32 to vector<16xi32>
      %ne3A_413 = arith.cmpi ne, %rem3A_410, %ne3A_412 : vector<16xi32>
      %lt3A_414 = arith.constant 0 : i32
      %lt3A_415 = vector.broadcast %lt3A_414 : i32 to vector<16xi32>
      %lt3A_416 = arith.cmpi slt, %rem3A_410, %lt3A_415 : vector<16xi32>
      %lt3A_417 = arith.constant 0 : i32
      %lt3A_418 = arith.cmpi slt, %select_n3A_408, %lt3A_417 : i32
      %ne3A_419 = vector.broadcast %lt3A_418 : i1 to vector<16xi1>
      %ne3A_420 = vector.broadcast %ne3A_419 : vector<16xi1> to vector<16xi1>
      %ne3A_421 = arith.xori %lt3A_416, %ne3A_420 : vector<16xi1>
      %and3A_422 = arith.andi %ne3A_421, %ne3A_413 : vector<16xi1>
      %add3A_423 = vector.broadcast %select_n3A_408 : i32 to vector<16xi32>
      %add3A_424 = arith.addi %rem3A_410, %add3A_423 : vector<16xi32>
      %select_n3A_425 = arith.select %and3A_422, %add3A_424, %rem3A_410 : vector<16xi1>, vector<16xi32>
      %mul3A_426 = arith.constant 3 : i32
      %mul3A_427 = vector.broadcast %mul3A_426 : i32 to vector<16xi32>
      %mul3A_428 = arith.muli %mul3A_427, %get3A_403 : vector<16xi32>
      %add3A_429 = arith.constant 2 : i32
      %add3A_430 = vector.broadcast %add3A_429 : i32 to vector<16xi32>
      %add3A_431 = arith.addi %select_n3A_425, %add3A_430 : vector<16xi32>
      %jit3A_432 = arith.constant 3 : i32
      %eq3A_433 = arith.constant 0 : i32
      %eq3A_434 = arith.cmpi eq, %jit3A_432, %eq3A_433 : i32
      %jit3A_435 = arith.constant 1 : i32
      %select_n3A_436 = arith.select %eq3A_434, %jit3A_435, %jit3A_432 : i32
      %rem3A_437 = vector.broadcast %select_n3A_436 : i32 to vector<16xi32>
      %rem3A_438 = arith.remsi %add3A_431, %rem3A_437 : vector<16xi32>
      %ne3A_439 = arith.constant 0 : i32
      %ne3A_440 = vector.broadcast %ne3A_439 : i32 to vector<16xi32>
      %ne3A_441 = arith.cmpi ne, %rem3A_438, %ne3A_440 : vector<16xi32>
      %lt3A_442 = arith.constant 0 : i32
      %lt3A_443 = vector.broadcast %lt3A_442 : i32 to vector<16xi32>
      %lt3A_444 = arith.cmpi slt, %rem3A_438, %lt3A_443 : vector<16xi32>
      %lt3A_445 = arith.constant 0 : i32
      %lt3A_446 = arith.cmpi slt, %select_n3A_436, %lt3A_445 : i32
      %ne3A_447 = vector.broadcast %lt3A_446 : i1 to vector<16xi1>
      %ne3A_448 = vector.broadcast %ne3A_447 : vector<16xi1> to vector<16xi1>
      %ne3A_449 = arith.xori %lt3A_444, %ne3A_448 : vector<16xi1>
      %and3A_450 = arith.andi %ne3A_449, %ne3A_441 : vector<16xi1>
      %add3A_451 = vector.broadcast %select_n3A_436 : i32 to vector<16xi32>
      %add3A_452 = arith.addi %rem3A_438, %add3A_451 : vector<16xi32>
      %select_n3A_453 = arith.select %and3A_450, %add3A_452, %rem3A_438 : vector<16xi1>, vector<16xi32>
      %add3A_454 = arith.addi %mul3A_428, %select_n3A_453 : vector<16xi32>
      %ne3A_455 = arith.constant 0 : i32
      %ne3A_456 = vector.broadcast %ne3A_455 : i32 to vector<16xi32>
      %ne3A_457 = arith.cmpi ne, %select_n3A_425, %ne3A_456 : vector<16xi32>
      %lt3A_458 = arith.constant 5 : i32
      %lt3A_459 = vector.broadcast %lt3A_458 : i32 to vector<16xi32>
      %lt3A_460 = arith.cmpi slt, %get3A_403, %lt3A_459 : vector<16xi32>
      %and3A_461 = arith.andi %ne3A_457, %lt3A_460 : vector<16xi1>
      %lt3A_462 = vector.broadcast %max3A_181 : i32 to vector<16xi32>
      %lt3A_463 = arith.cmpi slt, %get3A_403, %lt3A_462 : vector<16xi32>
      %and3A_464 = arith.andi %and3A_461, %lt3A_463 : vector<16xi1>
      %lt3A_465 = arith.constant 62 : i32
      %lt3A_466 = vector.broadcast %lt3A_465 : i32 to vector<16xi32>
      %lt3A_467 = arith.cmpi slt, %add3A_401, %lt3A_466 : vector<16xi32>
      %and3A_468 = arith.andi %and3A_464, %lt3A_467 : vector<16xi1>
      %mul3A_469 = arith.constant 16 : i32
      %mul3A_470 = vector.broadcast %mul3A_469 : i32 to vector<16xi32>
      %mul3A_471 = arith.muli %add3A_401, %mul3A_470 : vector<16xi32>
      %add3A_472 = arith.addi %mul3A_471, %add3A_454 : vector<16xi32>
      tpu.vector_store_idx %arg5[%add3A_472], %broadcast_in_dim3A_183 masked %and3A_468 : memref<992xf32, #tpu.memory_space<vmem>>[vector<16xi32>], vector<16xf32>, vector<16xi1>
      "tpu.region"() ({
        %run_scoped3A = tpu.sem_alloc : memref<!tpu.dma_semaphore, #tpu.memory_space<semaphore_mem>>
        tpu.enqueue_dma source(%arg5 : memref<992xf32, #tpu.memory_space<vmem>>) target(%arg3 : memref<992xf32, #tpu.memory_space<hbm>>) target_semaphore(%run_scoped3A : memref<!tpu.dma_semaphore, #tpu.memory_space<semaphore_mem>>)
        tpu.wait_dma2 semaphore(%run_scoped3A : memref<!tpu.dma_semaphore, #tpu.memory_space<semaphore_mem>>) src(%arg5 : memref<992xf32, #tpu.memory_space<vmem>>) dst(%arg3 : memref<992xf32, #tpu.memory_space<hbm>>)
        tpu.yield
      }) : () -> ()
    } else {
    }
    return
  }
}

module attributes {stable_mosaic.version = 14 : i64} {
  func.func @_mm_kernel(%arg0: memref<62x256xf32, #tpu.memory_space<vmem>>, %arg1: memref<500x256xf32, #tpu.memory_space<vmem>>, %arg2: memref<1x500xf32, #tpu.memory_space<vmem>>, %arg3: memref<62x500xf32, #tpu.memory_space<vmem>>) attributes {dimension_semantics = [], scalar_prefetch = 0 : i64, scratch_operands = 0 : i64, tpu.core_type = #tpu.core_type<tc>} {
    %get3A = arith.constant 0 : index
    %get3A_0 = arith.constant 0 : index
    %get3A_1 = vector.load %arg0[%get3A, %get3A_0] : memref<62x256xf32, #tpu.memory_space<vmem>>, vector<62x256xf32>
    %get3A_2 = arith.constant 0 : index
    %get3A_3 = arith.constant 0 : index
    %get3A_4 = vector.load %arg1[%get3A_2, %get3A_3] : memref<500x256xf32, #tpu.memory_space<vmem>>, vector<500x256xf32>
    %dot_general3A = arith.constant dense<0.000000e+00> : vector<62x500xf32>
    %dot_general3A_5 = tpu.matmul %get3A_1, %get3A_4, %dot_general3A {dimension_numbers = #tpu.dot_dimension_numbers<[1], [1], [0], [0], [0, 0, 1, 0], [], []>, transpose_lhs_hint = false} : vector<62x256xf32>, vector<500x256xf32>, vector<62x500xf32> -> vector<62x500xf32>
    %get3A_6 = arith.constant 0 : index
    %get3A_7 = arith.constant 0 : index
    %get3A_8 = vector.load %arg2[%get3A_6, %get3A_7] : memref<1x500xf32, #tpu.memory_space<vmem>>, vector<1x500xf32>
    %add3A = vector.broadcast %get3A_8 : vector<1x500xf32> to vector<62x500xf32>
    %add3A_9 = arith.addf %dot_general3A_5, %add3A : vector<62x500xf32>
    %swap3A = arith.constant 0 : index
    %swap3A_10 = arith.constant 0 : index
    %swap3A_11 = vector.load %arg3[%swap3A, %swap3A_10] : memref<62x500xf32, #tpu.memory_space<vmem>>, vector<62x500xf32>
    tpu.vector_store %arg3[%swap3A, %swap3A_10], %add3A_9 {strides = array<i32>} : memref<62x500xf32, #tpu.memory_space<vmem>>, vector<62x500xf32>,
    return
  }
}

</mosaic_0001>

<sc_bundles>
// kernel: kernel.4.cloned.1.call-start
scs
__scs_entry_jumppad:
0x0: {  	(pc) =	sbr.rel $0x88, $3  }
0x1: {  	(tag) =	ssettag $0x0;
	lr =	simm.s32 $0x1  }
0x2: {  	[smem:$0x3F9D] =	sst lr;
	_ =	strace $0xD0000000  }
0x3: {  	_ = 	snop  }
0x4: {  	_ = 	snop  }
0x5: {  	_ = 	snop  }
0x6: {  	_ = 	snop  }
0x7: {  	_ = 	snop  }
__scs_overlays_trampoline_lowered:
0x8: {  	[smem:$0x3FAC] =	sst s0  }
0x9: {  	[smem:$0x3FAD] =	sst s1  }
0xa: {  	[smem:$0x3FAE] =	sst s2  }
0xb: {  	[smem:$0x3FAF] =	sst s3  }
0xc: {  	[smem:$0x3FB0] =	sst s4  }
0xd: {  	[smem:$0x3FB1] =	sst s5  }
0xe: {  	[smem:$0x3FB2] =	sst s6  }
0xf: {  	[smem:$0x3FB3] =	sst s7  }
0x10: {  	[smem:$0x3FB4] =	sst s8  }
0x11: {  	[smem:$0x3FB5] =	sst s9;
	s0 =	simm.s32 @!p0 $0x0  }
0x12: {  	s1 =	sld [smem:$0x3F9B];
	s0 =	simm.s32 @p0 $0x1  }
0x13: {  	[smem:$0x3FB6] =	sst s0;
	s0 =	simm.s32 @!p1 $0x0  }
0x14: {  	s2 =	sld [smem:$0x3F9A];
	s0 =	simm.s32 @p1 $0x1  }
0x15: {  	[smem:$0x3FB7] =	sst s0;
	s0 =	simm.s32 @!p2 $0x0  }
0x16: {  	s3 =	sld [smem:$0x3FDB];
	s0 =	simm.s32 @p2 $0x1  }
0x17: {  	s4 =	simm.s32 $0x1BF5;
	[smem:$0x3FB9] =	sst s0  }
0x18: {  	s0 =	sld [smem:$0x3F9C];
	_ =	swait.ge [sflag:s4], $0x0  }
0x19: {  	s7 =	sld [smem:$0x3F9D]  }
0x1a: {  	s8 =	sadd.s32 $0xFFFFE003, lr  }
0x1b: {  	s9 =	sadd.s32 $0xFFFFFEF7, lr;
	s5 =	simm.s32 $0xFFFFFFFF;
	p2 =	slt.u32 s8, $0xFFFFF086  }
0x1c: {  	p1 =	slt.u32 s9, $0xF7A;
	s5 =	simm.s32 @!p2 $0x0  }
0x1d: {  	s5 =	simm.s32 @p1 $0x1;
	p0 =	seq.s32 s7, s2  }
0x1e: {  	s7 =	smul.u32 @!p0 $0xF7A, s2;
	p2 =	seq.s32 @!p0 s5, $0x0  }
0x1f: {  	s9 =	smul.u32 $0xF7A, s1;
	s8 =	simm.s32 @!p0 $0x1BF5;
	p2 =	por !p2, p0  }
0x20: {  	[sflag:s8] =	ssyncset.s32 @!p0 $0xFFFFF086;
	s6 =	sadd.s32 @!p0 s3, s7;
	s7 =	simm.s32 @!p0 $0x108  }
0x21: {  	s3 =	sadd.s32 s3, s9;
	s6 =	sadd.s32 @!p0 $0x88, s6;
	s7 =	simm.s32 @p2 $0x1082  }
0x22: {  	[simem:s7], [sflag:s8] =	dma.local @!p0 [hbm:s6], $0xF7A  }
0x23: {  	s9 =	sor.u32 $0xD0000000, s2;
	s6 =	simm.s32 $0x108;
	_ =	swait.ge @!p0 [sflag:s8], $0x0  }
0x24: {  	s3 =	sadd.s32 $0x88, s3;
	s6 =	simm.s32 @!p1 $0x1082;
	[sflag:s4] =	ssyncset.s32 $0xFFFFF086  }
0x25: {  	[simem:s6], [sflag:s4] =	dma.local [hbm:s3], $0xF7A  }
0x26: {  	[smem:$0x3F9D] =	sst s1;
	(tag) =	ssettag s2;
	_ =	strace s9  }
0x27: {  	s1 =	sld [smem:$0x3FAD]  }
0x28: {  	s2 =	sld [smem:$0x3FAE]  }
0x29: {  	s4 =	sld [smem:$0x3FB0]  }
0x2a: {  	p0 =	seq.s32 s5, $0x0;
	s5 =	sld [smem:$0x3FB1]  }
0x2b: {  	s6 =	sld [smem:$0x3FB2]  }
0x2c: {  	s7 =	sld [smem:$0x3FB3]  }
0x2d: {  	s3 =	simm.s32 $0x108;
	s8 =	sld [smem:$0x3FB4]  }
0x2e: {  	s3 =	simm.s32 @!p0 $0x1082;
	s9 =	sld [smem:$0x3FB5]  }
0x2f: {  	lr =	sadd.s32 s0, s3;
	s0 =	sld [smem:$0x3FAC]  }
0x30: {  	s3 =	sld [smem:$0x3FAF]  }
0x31: {  	[smem:$0x3FB8] =	sst s10  }
0x32: {  	s10 =	sld [smem:$0x3FB6];
	_ =	sdelay $0x3  }
0x33: {  	p0 =	seq.s32 s10, $0x1;
	s10 =	sld [smem:$0x3FB8];
	_ =	sdelay $0x3  }
0x34: {  	[smem:$0x3FB8] =	sst s10  }
0x35: {  	s10 =	sld [smem:$0x3FB7];
	_ =	sdelay $0x3  }
0x36: {  	p1 =	seq.s32 s10, $0x1;
	s10 =	sld [smem:$0x3FB8];
	_ =	sdelay $0x3  }
0x37: {  	[smem:$0x3FB8] =	sst s10  }
0x38: {  	s10 =	sld [smem:$0x3FB9]  }
0x39: {  	_ = 	snop;
	(pc) =	sbr.ind lr, $3  }
0x3a: {  	_ = 	snop  }
0x3b: {  	_ = 	snop  }
0x3c: {  	p2 =	seq.s32 s10, $0x1;
	s10 =	sld [smem:$0x3FB8]  }
0x3d: {  	_ =	shalt  }
0x3e: {  	_ =	shalt  }
0x3f: {  	_ =	shalt  }
0x40: {  	_ =	shalt  }
0x41: {  	_ =	shalt  }
0x42: {  	_ =	shalt  }
0x43: {  	_ =	shalt  }
0x44: {  	_ =	shalt  }
0x45: {  	_ =	shalt  }
0x46: {  	_ =	shalt  }
0x47: {  	_ =	shalt  }
0x48: {  	_ =	shalt  }
0x49: {  	_ =	shalt  }
0x4a: {  	_ =	shalt  }
0x4b: {  	_ =	shalt  }
0x4c: {  	_ =	shalt  }
0x4d: {  	_ =	shalt  }
0x4e: {  	_ =	shalt  }
0x4f: {  	_ =	shalt  }
0x50: {  	_ =	shalt  }
0x51: {  	_ =	shalt  }
0x52: {  	_ =	shalt  }
0x53: {  	_ =	shalt  }
0x54: {  	_ =	shalt  }
0x55: {  	_ =	shalt  }
0x56: {  	_ =	shalt  }
0x57: {  	_ =	shalt  }
0x58: {  	_ =	shalt  }
0x59: {  	_ =	shalt  }
0x5a: {  	_ =	shalt  }
0x5b: {  	_ =	shalt  }
0x5c: {  	_ =	shalt  }
0x5d: {  	_ =	shalt  }
0x5e: {  	_ =	shalt  }
0x5f: {  	_ =	shalt  }
0x60: {  	_ =	shalt  }
0x61: {  	_ =	shalt  }
0x62: {  	_ =	shalt  }
0x63: {  	_ =	shalt  }
0x64: {  	_ =	shalt  }
0x65: {  	_ =	shalt  }
0x66: {  	_ =	shalt  }
0x67: {  	_ =	shalt  }
0x68: {  	_ =	shalt  }
0x69: {  	_ =	shalt  }
0x6a: {  	_ =	shalt  }
0x6b: {  	_ =	shalt  }
0x6c: {  	_ =	shalt  }
0x6d: {  	_ =	shalt  }
0x6e: {  	_ =	shalt  }
0x6f: {  	_ =	shalt  }
0x70: {  	_ =	shalt  }
0x71: {  	_ =	shalt  }
0x72: {  	_ =	shalt  }
0x73: {  	_ =	shalt  }
0x74: {  	_ =	shalt  }
0x75: {  	_ =	shalt  }
0x76: {  	_ =	shalt  }
0x77: {  	_ =	shalt  }
0x78: {  	_ =	shalt  }
0x79: {  	_ =	shalt  }
0x7a: {  	_ =	shalt  }
0x7b: {  	_ =	shalt  }
0x7c: {  	_ =	shalt  }
0x7d: {  	_ =	shalt  }
0x7e: {  	_ =	shalt  }
0x7f: {  	_ =	shalt  }
0x80: {  	_ =	shalt  }
0x81: {  	_ =	shalt  }
0x82: {  	_ =	shalt  }
0x83: {  	_ =	shalt  }
0x84: {  	_ =	shalt  }
0x85: {  	_ =	shalt  }
0x86: {  	_ =	shalt  }
0x87: {  	_ =	shalt  }
.Lfunc_end0:
.L_simem_size_0:
called_computation_lowered:
.L_overlay_start_0:
0x88: {  	s2 =	sld [smem:$0x3FD9]  }
0x89: {  	s3 =	sld [smem:$0x3FFE];
	_ =	sdelay $0x1  }
0x8a: {  	s1 =	srdreg.scid  }
0x8b: {  	s0 =	sand.u32 $0x1, s1  }
0x8c: {  	s17 =	sshll.u32 s0, $0xA;
	s2 =	sadd.s32 s3, s2  }
0x8d: {  	s2 =	sadd.s32 s2, s17  }
0x8e: {  	[smem:$0x3FC4] =	sst s2  }
0x8f: {  	_ = 	snop  }
0x90: {  	s2 =	sld [smem:$0x3FD0];
	(tm) =	ssettm $0x1  }
0x91: {  	s18 =	sld [smem:$0x3FFB];
	_ =	sdelay $0x3  }
0x92: {  	_ =	strace s18  }
0x93: {  	s3 =	sld [smem:$0x3FFC];
	_ =	sdelay $0x3  }
0x94: {  	_ =	strace s3  }
0x95: {  	s3 =	sld [smem:$0x3FFD];
	_ =	sdelay $0x3  }
0x96: {  	_ =	strace s3  }
0x97: {  	_ =	strace $0x8FFFFFFF  }
0x98: {  	s19 =	sld [smem:$0x3FDB];
	_ =	sdelay $0x1  }
0x99: {  	s4 =	simm.s32 $_scs_section_size  }
0x9a: {  	s5 =	simm.s32 $_size__tile_overlayer_lowered;
	s6 =	simm.s32 $_tile_overlayer_lowered  }
0x9b: {  	s22 =	simm.s32 $0x1BFF;
	s21 =	sshll.u32 s6, $0x1;
	s3 =	sadd.s32 s4, s19  }
0x9c: {  	s7 =	simm.s32 $0x0;
	s20 =	sshll.u32 s5, $0x1;
	s5 =	sadd.s32 s21, s3  }
0x9d: {  	[timem:s7], [sflag:s22] =	dma.local [hbm:s5], s20  }
0x9e: {  	_ =	swait.ge [sflag:s22], s20  }
0x9f: {  	s4 =	ssub.s32 $0x0, s20;
	[sflag:s22] =	ssyncset.done $0x0  }
0xa0: {  	[sflag:s22] =	ssyncadd.s32 s4;
	_ =	sdelay $0x1  }
0xa1: {  	s23 =	simm.s32 $0x1B8B  }
0xa2: {  	_ =	swait.ge [sflag:s23], $0x1  }
0xa3: {  	[sflag:s23] =	ssyncset.done $0x0  }
0xa4: {  	s25 =	simm.s32 $0x1B8E;
	s24 =	sld [smem:$0x3FFE];
	[sflag:s23] =	ssyncadd.s32 $0xFFFFFFFF  }
0xa5: {  	s26 =	simm.s32 $execute0_lowered;
	[smem:$0x3FD2] =	sst s25  }
0xa6: {  	s5 =	sshll.u32 s26, $0x1;
	_ =	strace $0x80000046;
	[dreg:$0x1] =	wrdreg $0xFFFFFFFF  }
0xa7: {  	s28 =	simm.s32 $_size_execute0_lowered;
	s3 =	sadd.s32 s3, s5;
	[dreg:$0x0] =	wrdreg $0x0  }
0xa8: {  	s5 =	sshll.u32 s28, $0x1;
	[dreg:$0x2] =	wrdreg s3  }
0xa9: {  	[dreg:$0x3] =	wrdreg s5  }
0xaa: {  	[dreg:$0x4] =	wrdreg $0xC0  }
0xab: {  	_ =	task [dreg:s7], $0x5FFFF  }
0xac: {  	[dreg:$0x1] =	wrdreg $0xFFFFFFFF  }
0xad: {  	[dreg:$0x0] =	wrdreg $0x60  }
0xae: {  	[dreg:$0x2] =	wrdreg s24  }
0xaf: {  	[dreg:$0x3] =	wrdreg s2  }
0xb0: {  	[dreg:$0x4] =	wrdreg $0x9  }
0xb1: {  	_ =	task.clear_ibuf [dreg:s7], $0x5FFFF;
	_ =	strace $0x90000046  }
0xb2: {  	s29 =	simm.s32 $0x9;
	_ =	strace $0x80000048  }
0xb3: {  	_ =	swait.ge [sflag:s29], $0x1  }
0xb4: {  	[sflag:s29] =	ssyncadd.s32 $0xFFFFFFFF  }
0xb5: {  	_ =	strace $0x90000048  }
0xb6: {  	_ =	sfence  }
0xb7: {  	s30 =	sld [smem:$0x0];
	_ =	sdelay $0x2  }
0xb8: {  	s31 =	sshll.u32 s1, $0xD;
	s1 =	sshrl.u32 s1, $0x2  }
0xb9: {  	s3 =	sand.u32 $0x4000, s31;
	s1 =	sadd.s32 s1, s30  }
0xba: {  	s0 =	sor.u32 s3, s0;
	s1 =	sshll.u32 s1, $0x11  }
0xbb: {  	s0 =	sor.u32 s1, s0  }
0xbc: {  	s0 =	sadd.s32 $0x8F2B, s0  }
0xbd: {  	[sflag:s0] =	ssyncadd.remote.s32 $0x1  }
0xbe: {  	_ =	sfence.sel $0xFFFF  }
0xbf: {  	[dreg:$0x0] =	wrdreg $0xFFFFFFFF;
	(pc) =	sbr.abs _section_cstart, $3  }
0xc0: {  	[dreg:$0x1] =	wrdreg $0xFFFFFFFF  }
0xc1: {  	_ =	task.clear_ibuf [dreg:s7], $0x2FFFF;
	_ =	strace $0x9FFFFFFF  }
0xc2: {  	(tm) =	ssettm $0x7FFFFFFF  }
0xc3: {  	_ =	shalt  }
tec
execute0_lowered:
.L_overlay_start_1:
0x0: {  	(tag) =	ssettag $0x1  }
0x1: {  	s0 =	srdreg.scid  }
0x2: {  	s4 =	sand.u32 $0x1, s0;
	s0 =	stileid.u32  }
0x3: {  	s5 =	sor.u32 s0, s4  }
0x4: {  	p0 =	sne.s32 s5, $0x0  }
.Ltmp0:
0x5: {  	_ = 	snop;
	(pc) =	sbr.rel @p0 .LBB2_3-.Ltmp0, $4  }
0x6: {  	_ = 	snop  }
0x7: {  	s3 =	rddreg [dreg:$0x0]  }
0x8: {  	s2 =	rddreg [dreg:$0x1]  }
0x9: {  	s1 =	rddreg [dreg:$0x2];
	_ =	strace $0x80000047  }
0xa: {  	v0 =	vimm.s32 $0xB1A09281  }
0xb: {  	v1 =	vimm.s32 $0xF2E1D0C2;
	vm0 =	vcmask $0x1F10;
	v2 =	vimm.s32 $0x1F2  }
0xc: {  	vm1 =	vcmask $0x300;
	v3 =	vimm.s32 $0x32211002;
	vm2 =	vcmask $0x704  }
0xd: {  	vm3 =	vcmask $0xB08;
	v4 =	vimm.s32 $0x70625140;
	v2 =	vsel vm1, $0x100, v2  }
0xe: {  	vm4 =	vcmask $0xF0C;
	vm5 =	vcmask $0x1310;
	v2 =	vsel vm2, $0x111, v2  }
0xf: {  	v0 =	vunpack.c.0.s8.s32 v0;
	v1 =	vunpack.c.0.s8.s32 v1;
	v2 =	vsel vm3, $0x122, v2  }
0x10: {  	v3 =	vunpack.c.0.s8.s32 v3;
	v4 =	vunpack.c.0.s8.s32 v4;
	v2 =	vsel vm4, $0x130, v2  }
0x11: {  	vm6 =	vcmask $0x1714;
	v1 =	vsel vm0, v1, v0;
	v0 =	vsel vm5, $0x141, v2  }
0x12: {  	v2 =	vsel vm0, v4, v3;
	v3 =	vimm.s32 $0x2F0;
	vm0 =	vcmask $0x1B18  }
0x13: {  	v4 =	vimm.s32 $0x3F0;
	v0 =	vsel vm6, $0x152, v0;
	v3 =	vsel vm1, $0x200, v3  }
0x14: {  	v4 =	vsel vm1, $0x301, v4;
	vm1 =	vcmask $0x1F1C;
	v1 =	vcombine.low v2, v1  }
0x15: {  	v2 =	vimm.f32 $1.000000000e+00;
	v0 =	vsel vm0, $0x160, v0;
	v3 =	vsel vm2, $0x211, v3  }
0x16: {  	v4 =	vsel vm2, $0x312, v4;
	vm2 =	vcmask $0x2320;
	v3 =	vsel vm3, $0x222, v3  }
0x17: {  	v4 =	vsel vm3, $0x320, v4;
	v5 =	vsel vm1, $0x171, v0;
	vm3 =	vcmask $0x2724  }
0x18: {  	v1 =	vand.u32 $0xFF, v1;
	v0 =	vsel vm4, $0x230, v3;
	v3 =	vsel vm4, $0x331, v4  }
0x19: {  	v5 =	vsel vm2, $0x182, v5;
	vm4 =	vcmask $0x2B28;
	v4 =	vsel vm5, $0x241, v0  }
0x1a: {  	v3 =	vsel vm5, $0x342, v3;
	v0 =	vimm.f32 $0.0e+00;
	v5 =	vsel vm3, $0x190, v5  }
0x1b: {  	v4 =	vsel vm6, $0x252, v4;
	v3 =	vsel vm6, $0x350, v3;
	v5 =	vsel vm4, $0x1A1, v5  }
0x1c: {  	v4 =	vsel vm0, $0x260, v4;
	v3 =	vsel vm0, $0x361, v3;
	vm0 =	vcmask $0x3F04  }
0x1d: {  	v4 =	vsel vm1, $0x271, v4;
	v3 =	vsel vm1, $0x372, v3;
	vm1 =	vcmask $0x2F2C  }
0x1e: {  	v4 =	vsel vm2, $0x282, v4;
	v3 =	vsel vm2, $0x380, v3;
	v5 =	vsel vm1, $0x1B2, v5  }
0x1f: {  	vm2 =	vcmask $0x3330;
	v4 =	vsel vm3, $0x290, v4;
	v3 =	vsel vm3, $0x391, v3  }
0x20: {  	v5 =	vsel vm2, $0x1C0, v5;
	vm3 =	vcmask $0x3734;
	v4 =	vsel vm4, $0x2A1, v4  }
0x21: {  	v3 =	vsel vm4, $0x3A2, v3;
	v5 =	vsel vm3, $0x1D1, v5;
	vm4 =	vcmask $0x3B38  }
0x22: {  	v4 =	vsel vm1, $0x2B2, v4;
	v3 =	vsel vm1, $0x3B0, v3;
	vm1 =	vmmov $0x7fff  }
0x23: {  	s4 =	ssub.s32 $0x2, s4;
	s3 =	sadd.s32 $0x600, s3;
	v4 =	vsel vm2, $0x2C0, v4;
	v6 =	vsel vm2, $0x3C1, v3;
	v3 =	vsel vm4, $0x1E2, v5  }
0x24: {  	s6 =	simm.s32 $0x80;
	s5 =	sshrl.u32 s4, $0x1;
	[dreg:$0x3] =	wrdreg s3;
	vm2 =	vcmask $0x373C;
	v4 =	vsel vm3, $0x2D1, v4;
	v5 =	vsel vm3, $0x3D2, v6  }
0x25: {  	s3 =	ssub.s32 s4, s5;
	s4 =	simm.s32 $0x0;
	s5 =	simm.s32 $0x1;
	vm3 =	vmmov $0x3fff;
	v4 =	vsel vm4, $0x2E2, v4;
	v5 =	vsel vm4, $0x3E2, v5  }
.LBB2_2:
0x26: {  	s7 =	rddreg [dreg:$0x3]  }
0x27: {  	[tilespmem:s4], [sflag:$0x1] =	stream.linear.gather [hbm4b:s7+s4], $0x80, $0x38;
	[tilespmem:$0x480] =	vst v63  }
0x28: {  	_ =	swait.ge [sflag:s5], $0x80  }
0x29: {  	[sflag:s5] =	ssyncset.done $0x0  }
0x2a: {  	[sflag:s5] =	ssyncadd.s32 $0xFFFFFF80  }
0x2b: {  	v6 =	vld [tilespmem:$0x0]  }
0x2c: {  	v7 =	vld [tilespmem:$0x10];
	_ =	sdelay $0x1  }
0x2d: {  	v8 =	vld [tilespmem:$0x20];
	_ =	sdelay $0x1  }
0x2e: {  	[tilespmem:$0x80] =	vst v0;
	v9 =	vld [tilespmem:$0x30]  }
0x2f: {  	[tilespmem:$0x90] =	vst v0;
	vm4 =	vgt.s32 v6, v7  }
0x30: {  	[tilespmem:$0xA0] =	vst v0;
	v7 =	vsel vm4, v6, v7  }
0x31: {  	[tilespmem:$0xB0] =	vst v0;
	vm4 =	vgt.s32 v7, v8  }
0x32: {  	[tilespmem:$0xC0] =	vst v0;
	v7 =	vsel vm4, v7, v8  }
0x33: {  	[tilespmem:$0xD0] =	vst v0;
	vm4 =	vgt.s32 v7, v9  }
0x34: {  	[tilespmem:$0xE0] =	vst v0;
	v7 =	vsel vm4, v7, v9  }
0x35: {  	[tilespmem:$0xF0] =	vst v0;
	(v2sf) =	vpush v7, $0x0  }
0x36: {  	[tilespmem:$0x100] =	vst v0;
	(v2sf) =	vpush v7, $0x1  }
0x37: {  	[tilespmem:$0x110] =	vst v0  }
0x38: {  	[tilespmem:$0x120] =	vst v0;
	(v2sf) =	vpush v7, $0x2  }
0x39: {  	[tilespmem:$0x130] =	vst v0  }
0x3a: {  	[tilespmem:$0x140] =	vst v0;
	(v2sf) =	vpush v7, $0x3  }
0x3b: {  	[tilespmem:$0x150] =	vst v0  }
0x3c: {  	[tilespmem:$0x160] =	vst v0;
	(v2sf) =	vpush v7, $0x4  }
0x3d: {  	[tilespmem:$0x170] =	vst v0  }
0x3e: {  	[tilespmem:$0x180] =	vst v0;
	(v2sf) =	vpush v7, $0x5  }
0x3f: {  	[tilespmem:$0x190] =	vst v0  }
0x40: {  	[tilespmem:$0x1A0] =	vst v0;
	(v2sf) =	vpush v7, $0x6  }
0x41: {  	[tilespmem:$0x1B0] =	vst v0  }
0x42: {  	[tilespmem:$0x1C0] =	vst v0;
	(v2sf) =	vpush v7, $0x7  }
0x43: {  	[tilespmem:$0x1D0] =	vst v0  }
0x44: {  	[tilespmem:$0x1E0] =	vst v0;
	s7 =	spop (v2sf);
	(v2sf) =	vpush v7, $0x8  }
0x45: {  	[tilespmem:$0x1F0] =	vst v0;
	s8 =	spop (v2sf)  }
0x46: {  	[tilespmem:$0x200] =	vst v0;
	(v2sf) =	vpush v7, $0x9;
	p0 =	sgt.s32 s7, s8  }
0x47: {  	[tilespmem:$0x210] =	vst v0;
	s8 =	smov.u32 @p0 s7;
	s7 =	spop (v2sf)  }
0x48: {  	[tilespmem:$0x220] =	vst v0;
	(v2sf) =	vpush v7, $0xA;
	p0 =	sgt.s32 s8, s7  }
0x49: {  	[tilespmem:$0x230] =	vst v0;
	s7 =	smov.u32 @p0 s8;
	s8 =	spop (v2sf)  }
0x4a: {  	[tilespmem:$0x240] =	vst v0;
	(v2sf) =	vpush v7, $0xB;
	p0 =	sgt.s32 s7, s8  }
0x4b: {  	[tilespmem:$0x250] =	vst v0;
	s8 =	smov.u32 @p0 s7;
	s7 =	spop (v2sf)  }
0x4c: {  	[tilespmem:$0x260] =	vst v0;
	(v2sf) =	vpush v7, $0xC;
	p0 =	sgt.s32 s8, s7  }
0x4d: {  	[tilespmem:$0x270] =	vst v0;
	s7 =	smov.u32 @p0 s8;
	s8 =	spop (v2sf)  }
0x4e: {  	[tilespmem:$0x280] =	vst v0;
	(v2sf) =	vpush v7, $0xD;
	p0 =	sgt.s32 s7, s8  }
0x4f: {  	[tilespmem:$0x290] =	vst v0;
	s8 =	smov.u32 @p0 s7;
	s7 =	spop (v2sf)  }
0x50: {  	[tilespmem:$0x2A0] =	vst v0;
	(v2sf) =	vpush v7, $0xE;
	p0 =	sgt.s32 s8, s7  }
0x51: {  	[tilespmem:$0x2B0] =	vst v0;
	s7 =	smov.u32 @p0 s8;
	s8 =	spop (v2sf)  }
0x52: {  	[tilespmem:$0x2C0] =	vst v0;
	(v2sf) =	vpush v7, $0xF;
	p0 =	sgt.s32 s7, s8  }
0x53: {  	[tilespmem:$0x2D0] =	vst v0;
	s8 =	smov.u32 @p0 s7;
	s7 =	spop (v2sf)  }
0x54: {  	[tilespmem:$0x2E0] =	vst v0;
	p0 =	sgt.s32 s8, s7  }
0x55: {  	[tilespmem:$0x2F0] =	vst v0;
	s7 =	smov.u32 @p0 s8;
	s8 =	spop (v2sf)  }
0x56: {  	[tilespmem:$0x300] =	vst v0;
	p0 =	sgt.s32 s7, s8  }
0x57: {  	[tilespmem:$0x310] =	vst v0;
	s8 =	smov.u32 @p0 s7;
	s7 =	spop (v2sf)  }
0x58: {  	[tilespmem:$0x320] =	vst v0;
	p0 =	sgt.s32 s8, s7  }
0x59: {  	[tilespmem:$0x330] =	vst v0;
	s7 =	smov.u32 @p0 s8;
	s8 =	spop (v2sf)  }
0x5a: {  	[tilespmem:$0x340] =	vst v0;
	p0 =	sgt.s32 s7, s8  }
0x5b: {  	[tilespmem:$0x350] =	vst v0;
	s8 =	smov.u32 @p0 s7;
	s7 =	spop (v2sf)  }
0x5c: {  	[tilespmem:$0x360] =	vst v0;
	p0 =	sgt.s32 s8, s7  }
0x5d: {  	[tilespmem:$0x370] =	vst v0;
	s7 =	smov.u32 @p0 s8;
	s8 =	spop (v2sf)  }
0x5e: {  	[tilespmem:$0x380] =	vst v0;
	p0 =	sgt.s32 s7, s8  }
0x5f: {  	[tilespmem:$0x390] =	vst v0;
	s8 =	smov.u32 @p0 s7;
	s7 =	spop (v2sf)  }
0x60: {  	[tilespmem:$0x3A0] =	vst v0;
	p0 =	sgt.s32 s8, s7  }
0x61: {  	[tilespmem:$0x3B0] =	vst v0;
	s7 =	smov.u32 @p0 s8;
	s8 =	spop (v2sf)  }
0x62: {  	[tilespmem:$0x3C0] =	vst v0;
	p0 =	sgt.s32 s7, s8  }
0x63: {  	[tilespmem:$0x3D0] =	vst v0;
	s8 =	smov.u32 @p0 s7  }
0x64: {  	[tilespmem:$0x3E0] =	vst v0;
	vm4 =	vlt.s32 v6, $0x5;
	vm5 =	vlt.s32 v6, s8  }
0x65: {  	[tilespmem:$0x3F0] =	vst v0;
	v6 =	vmul.u32 $0x3, v6;
	vm4 =	vmand vm4, vm5  }
0x66: {  	[tilespmem:$0x400] =	vst v0;
	vm4 =	vmand vm4, vm0  }
0x67: {  	[tilespmem:$0x410] =	vst v0;
	v6 =	vadd.s32 v1, v6  }
0x68: {  	[tilespmem:$0x420] =	vst v0  }
0x69: {  	[tilespmem:$0x430] =	vst v0  }
0x6a: {  	[tilespmem:$0x440] =	vst v0  }
0x6b: {  	[tilespmem:$0x450] =	vst v0  }
0x6c: {  	[tilespmem:v6+s6+$0x0] =	vst.idx.msk vm4, v2  }
0x6d: {  	v6 =	vld [tilespmem:$0x10];
	_ =	sdelay $0x4  }
0x6e: {  	vm4 =	vlt.s32 v6, $0x5;
	vm5 =	vlt.s32 v6, s8  }
0x6f: {  	v6 =	vmul.u32 $0x3, v6;
	vm4 =	vmand vm4, vm5  }
0x70: {  	vm4 =	vmand vm4, vm1  }
0x71: {  	v6 =	vadd.s32 v3, v6;
	_ =	sdelay $0x4  }
0x72: {  	[tilespmem:v6+s6+$0x0] =	vst.idx.msk vm4, v2  }
0x73: {  	v6 =	vld [tilespmem:$0x20];
	_ =	sdelay $0x4  }
0x74: {  	v7 =	vmul.u32 $0x3, v6;
	vm4 =	vlt.s32 v6, $0x5;
	vm5 =	vlt.s32 v6, s8  }
0x75: {  	vm4 =	vmand vm4, vm5  }
0x76: {  	v6 =	vadd.s32 v4, v7;
	_ =	sdelay $0x4  }
0x77: {  	[tilespmem:v6+s6+$0x0] =	vst.idx.msk vm4, v2  }
0x78: {  	v6 =	vld [tilespmem:$0x30];
	_ =	sdelay $0x4  }
0x79: {  	vm4 =	vlt.s32 v6, $0x5;
	vm5 =	vlt.s32 v6, s8  }
0x7a: {  	vm4 =	vmand vm4, vm5  }
0x7b: {  	v6 =	vmul.u32 $0x3, v6;
	vm4 =	vmand vm4, vm3  }
0x7c: {  	vm4 =	vmand vm4, vm2  }
0x7d: {  	v6 =	vadd.s32 v5, v6;
	_ =	sdelay $0x3  }
0x7e: {  	p0 =	sne.s32 s3, $0x1  }
.Ltmp1:
0x7f: {  	[tilespmem:v6+s6+$0x0] =	vst.idx.msk vm4, v2;
	(pc) =	sbr.rel @p0 .LBB2_2-.Ltmp1, $4  }
0x80: {  	[hbm4b:s2+s4] =	stream.linear.scatter [tilespmem:s6], [sflag:$0x1], $0x400, $0x38;
	[tilespmem:$0x480] =	vst v63  }
0x81: {  	_ =	swait.ge [sflag:s5], $0x400  }
0x82: {  	[sflag:s5] =	ssyncset.done $0x0  }
0x83: {  	s3 =	sadd.s32 $0xFFFFFFFF, s3;
	[sflag:s5] =	ssyncadd.s32 $0xFFFFFC00  }
.LBB2_3:
0x84: {  	_ =	sfence.sel $0x180000  }
0x85: {  	[bflag:$0x0] =	sbarrier.arrive $0xFFFF  }
0x86: {  	p0 =	sne.s32 s0, $0x0;
	_ =	strace $0x90000047  }
0x87: {  	s0 =	sadd.s32 @!p0 $0x100000, s1;
	[bflag:$0x2] =	sbarrier.arrive $0xFFFF  }
0x88: {  	[sflag:s0] =	ssyncadd.tile.s32 @!p0 $0x1;
	_ =	shalt  }
.Lfunc_end2:
_tile_overlayer_lowered:
.L_overlay_start_2:
0x89: {  	(tag) =	ssettag $0x2  }
0x8a: {  	s0 =	rddreg [dreg:$0x0];
	s2 =	stileid.u32  }
0x8b: {  	s1 =	rddreg [dreg:$0x1];
	p0 =	sne.s32 s2, $0x0  }
0x8c: {  	s3 =	rddreg [dreg:$0x2];
	[bflag:$0x3] =	sbarrier.arrive $0xFFFF;
	s2 =	simm.s32 @!p0 $0x1C01  }
0x8d: {  	[timem:s3], [sflag:s2] =	dma.local @!p0 [hbm:s0], s1  }
0x8e: {  	s0 =	simm.s32 @!p0 $0x1  }
0x8f: {  	_ =	swait.ge @!p0 [sflag:s0], s1  }
0x90: {  	s1 =	ssub.s32 @!p0 $0x0, s1;
	[sflag:s0] =	ssyncset.done @!p0 $0x0  }
0x91: {  	[sflag:s0] =	ssyncadd.s32 @!p0 s1  }
0x92: {  	[bflag:$0x3] =	sbarrier.arrive $0xFFFF  }
0x93: {  	_ =	shalt  }

</sc_bundles>
